<compile_context>
chip_gen: v7x
topology: tpu7x:2x2x1
jax: 0.10.2.dev20260603
libtpu: 0.0.44.dev20260713+nightly
codegen_flags: <defaults>
</compile_context>

<pallas_src>
import functools

import jax
import jax.numpy as jnp
from jax import lax
from jax.experimental import pallas as pl
from jax.experimental.pallas import tpu as pltpu
from jax.experimental.pallas import tpu_sc as plsc

N = 10000
D = 128
H = 128
C = 10
G = 64

NTILES = 32
SUBC = 16
CHUNK = 128
SCHUNK = 64
N_ACC = 10240
SUB_ROWS = N_ACC // SUBC

SLOW_CORE = 0
SLOW_FRAC = 0.62

R = 1000
HIGHEST = lax.Precision.HIGHEST
F32 = jnp.float32


def _sc_mesh():
    return plsc.VectorSubcoreMesh(core_axis_name="c", subcore_axis_name="s")


def _make_sc_degree(nchunks):
    @functools.partial(
        pl.kernel,
        out_type=jax.ShapeDtypeStruct((2, N_ACC, H), F32),
        mesh=_sc_mesh(),
        scratch_types=[
            pltpu.VMEM_SHARED((N_ACC, H), F32),
            pltpu.VMEM((nchunks, CHUNK), jnp.int32),
            pltpu.VMEM((CHUNK, H), F32),
        ],
    )
    def deg_kernel(dst_hbm, ones_hbm, zeros_hbm, out_hbm, acc, dst_v, ones_v):
        cid = lax.axis_index("c")
        sid = lax.axis_index("s")
        tid = cid * SUBC + sid
        pltpu.sync_copy(dst_hbm.at[tid], dst_v)
        pltpu.sync_copy(ones_hbm, ones_v)
        pltpu.sync_copy(zeros_hbm, acc.at[pl.ds(sid * SUB_ROWS, SUB_ROWS)])
        plsc.subcore_barrier()

        def body(ci, carry):
            pltpu.sync_copy(ones_v, acc.at[dst_v.at[ci]], add=True)
            return carry

        lax.fori_loop(0, nchunks, body, 0)
        plsc.subcore_barrier()
        pltpu.sync_copy(
            acc.at[pl.ds(sid * SUB_ROWS, SUB_ROWS)],
            out_hbm.at[cid, pl.ds(sid * SUB_ROWS, SUB_ROWS)],
        )

    return deg_kernel


def _make_sc_scatter(c0, c1):
    cmax = max(c0, c1)

    @functools.partial(
        pl.kernel,
        out_type=jax.ShapeDtypeStruct((2, N_ACC, H), F32),
        mesh=_sc_mesh(),
        scratch_types=[
            pltpu.VMEM_SHARED((N_ACC, H), F32),
            pltpu.VMEM((cmax, CHUNK), jnp.int32),
            pltpu.VMEM((cmax, CHUNK), jnp.int32),
            pltpu.VMEM((SCHUNK, H), F32),
            pltpu.VMEM((SCHUNK, H), F32),
            pltpu.SemaphoreType.DMA,
            pltpu.SemaphoreType.DMA,
        ],
    )
    def scat_kernel(h_hbm, src_hbm, dst_hbm, zeros_hbm, out_hbm,
                    acc, src_v, dst_v, rows0, rows1, g0, g1):
        cid = lax.axis_index("c")
        sid = lax.axis_index("s")
        tid = cid * SUBC + sid
        if c0 == c1:
            nchunks = c0
        else:
            nchunks = jnp.where(cid == 0, c0, c1)
        pltpu.sync_copy(src_hbm.at[tid], src_v)
        pltpu.sync_copy(dst_hbm.at[tid], dst_v)
        pltpu.sync_copy(zeros_hbm, acc.at[pl.ds(sid * SUB_ROWS, SUB_ROWS)])
        plsc.subcore_barrier()

        lo = pl.ds(0, SCHUNK)
        hi = pl.ds(SCHUNK, SCHUNK)
        pltpu.async_copy(h_hbm.at[src_v.at[0, lo]], rows0, g0)

        def body(ci, carry):
            cn = jnp.minimum(ci + 1, nchunks - 1)
            pltpu.make_async_copy(h_hbm.at[src_v.at[ci, lo]], rows0, g0).wait()
            pltpu.async_copy(h_hbm.at[src_v.at[ci, hi]], rows1, g1)
            pltpu.sync_copy(rows0, acc.at[dst_v.at[ci, lo]], add=True)
            pltpu.make_async_copy(h_hbm.at[src_v.at[ci, hi]], rows1, g1).wait()
            pltpu.async_copy(h_hbm.at[src_v.at[cn, lo]], rows0, g0)
            pltpu.sync_copy(rows1, acc.at[dst_v.at[ci, hi]], add=True)
            return carry

        lax.fori_loop(0, nchunks, body, 0)
        pltpu.make_async_copy(h_hbm.at[src_v.at[0, lo]], rows0, g0).wait()
        plsc.subcore_barrier()
        pltpu.sync_copy(
            acc.at[pl.ds(sid * SUB_ROWS, SUB_ROWS)],
            out_hbm.at[cid, pl.ds(sid * SUB_ROWS, SUB_ROWS)],
        )

    return scat_kernel


def _tc_mm_body(x_ref, w_ref, o_ref):
    o_ref[...] = jnp.dot(x_ref[...], w_ref[...], precision=HIGHEST)


def _tc_mm(x, W1):
    return pl.pallas_call(
        _tc_mm_body,
        grid=(N // R,),
        in_specs=[
            pl.BlockSpec((R, D), lambda i: (i, 0)),
            pl.BlockSpec((D, H), lambda i: (0, 0)),
        ],
        out_specs=pl.BlockSpec((R, H), lambda i: (i, 0)),
        out_shape=jax.ShapeDtypeStruct((N, H), F32),
    )(x, W1)


def _tc_first_body(deg_ref, h_ref, hp_ref, dinv_ref):
    d = deg_ref[...]
    deg = d[0][:, :1] + d[1][:, :1] + 1.0
    dinv = lax.rsqrt(deg)
    hp_ref[...] = dinv * h_ref[...]
    dinv_ref[...] = jnp.broadcast_to(dinv, (R, 16))


def _tc_first(deg2, h1):
    return pl.pallas_call(
        _tc_first_body,
        grid=(N // R,),
        in_specs=[
            pl.BlockSpec((2, R, H), lambda i: (0, i, 0)),
            pl.BlockSpec((R, H), lambda i: (i, 0)),
        ],
        out_specs=[
            pl.BlockSpec((R, H), lambda i: (i, 0)),
            pl.BlockSpec((R, 16), lambda i: (i, 0)),
        ],
        out_shape=[
            jax.ShapeDtypeStruct((N, H), F32),
            jax.ShapeDtypeStruct((N, 16), F32),
        ],
    )(deg2, h1)


def _tc_mid_body(s_ref, hp_ref, dinv_ref, b_ref, w_ref, o_ref):
    dinv = dinv_ref[...][:, :1]
    s = s_ref[...]
    agg = s[0] + s[1] + hp_ref[...]
    a = jnp.maximum(dinv * agg + b_ref[...], 0.0)
    o_ref[...] = dinv * jnp.dot(a, w_ref[...], precision=HIGHEST)


def _tc_mid(S, hp, dinv16, b2d, W):
    return pl.pallas_call(
        _tc_mid_body,
        grid=(N // R,),
        in_specs=[
            pl.BlockSpec((2, R, H), lambda i: (0, i, 0)),
            pl.BlockSpec((R, H), lambda i: (i, 0)),
            pl.BlockSpec((R, 16), lambda i: (i, 0)),
            pl.BlockSpec((1, H), lambda i: (0, 0)),
            pl.BlockSpec((H, H), lambda i: (0, 0)),
        ],
        out_specs=pl.BlockSpec((R, H), lambda i: (i, 0)),
        out_shape=jax.ShapeDtypeStruct((N, H), F32),
    )(S, hp, dinv16, b2d, W)


def _tc_final_body(s_ref, hp_ref, dinv_ref, b_ref, batch_ref, wc_ref, bc_ref,
                   o_ref, pooled, cnt):
    i = pl.program_id(0)
    dinv = dinv_ref[...][:, :1]
    s = s_ref[...]
    a = jnp.maximum(dinv * (s[0] + s[1] + hp_ref[...]) + b_ref[...], 0.0)
    bb = batch_ref[0, 0, :]
    gid = lax.broadcasted_iota(jnp.int32, (G, R), 0)
    mask = jnp.where(gid == bb[None, :], 1.0, 0.0).astype(F32)
    pm = jnp.dot(mask, a, precision=HIGHEST)
    cm = jnp.broadcast_to(jnp.sum(mask, axis=1, keepdims=True), (G, H))

    @pl.when(i == 0)
    def _():
        pooled[...] = pm
        cnt[...] = cm

    @pl.when(i > 0)
    def _():
        pooled[...] += pm
        cnt[...] += cm

    @pl.when(i == N // R - 1)
    def _():
        emb = pooled[...] / jnp.maximum(cnt[...], 1.0)
        o_ref[...] = jnp.dot(emb, wc_ref[...], precision=HIGHEST) + bc_ref[...]


def _tc_final(S, hp, dinv16, b2d, batch3, Wcp, bcp):
    return pl.pallas_call(
        _tc_final_body,
        grid=(N // R,),
        in_specs=[
            pl.BlockSpec((2, R, H), lambda i: (0, i, 0)),
            pl.BlockSpec((R, H), lambda i: (i, 0)),
            pl.BlockSpec((R, 16), lambda i: (i, 0)),
            pl.BlockSpec((1, H), lambda i: (0, 0)),
            pl.BlockSpec((1, 1, R), lambda i: (i, 0, 0)),
            pl.BlockSpec((H, 128), lambda i: (0, 0)),
            pl.BlockSpec((1, 128), lambda i: (0, 0)),
        ],
        out_specs=pl.BlockSpec((G, 128), lambda i: (0, 0)),
        out_shape=jax.ShapeDtypeStruct((G, 128), F32),
        scratch_shapes=[
            pltpu.VMEM((G, H), F32),
            pltpu.VMEM((G, H), F32),
        ],
    )(S, hp, dinv16, b2d, batch3, Wcp, bcp)


def _split_uneven(v, fill, c0, c1):
    cmax = max(c0, c1)
    cap0 = SUBC * c0 * CHUNK
    cap1 = SUBC * c1 * CHUNK
    pad = cap0 + cap1 - v.shape[0]
    vp = jnp.concatenate([v, jnp.full((pad,), fill, jnp.int32)])
    p0 = vp[:cap0].reshape(SUBC, c0, CHUNK)
    p1 = vp[cap0:].reshape(SUBC, c1, CHUNK)
    p0 = jnp.pad(p0, ((0, 0), (0, cmax - c0), (0, 0)), constant_values=fill)
    p1 = jnp.pad(p1, ((0, 0), (0, cmax - c1), (0, 0)), constant_values=fill)
    return jnp.concatenate([p0, p1], axis=0)


def kernel(x, edge_index, batch, W1, b1, W2, b2, W3, b3, Wc, bc):
    src = edge_index[0].astype(jnp.int32)
    dst = edge_index[1].astype(jnp.int32)
    E = src.shape[0]
    ept = NTILES * CHUNK
    nchunks = -(-E // ept)
    e_pad = nchunks * ept
    pad = e_pad - E
    dstp = jnp.concatenate([dst, jnp.full((pad,), N, jnp.int32)]).reshape(
        NTILES, nchunks, CHUNK)
    tot = -(-E // CHUNK)
    c_slow = max(1, round(tot * SLOW_FRAC / SUBC))
    c_fast = -(-(tot - SUBC * c_slow) // SUBC)
    c0, c1 = (c_slow, c_fast) if SLOW_CORE == 0 else (c_fast, c_slow)
    srcp_s = _split_uneven(src, 0, c0, c1)
    dstp_s = _split_uneven(dst, N, c0, c1)

    onesH = jnp.ones((CHUNK, H), F32)
    zerosH = jnp.zeros((SUB_ROWS, H), F32)
    b1r = b1.reshape(1, H)
    b2r = b2.reshape(1, H)
    b3r = b3.reshape(1, H)
    Wcp = jnp.zeros((H, 128), F32).at[:, :C].set(Wc)
    bcp = jnp.zeros((1, 128), F32).at[0, :C].set(bc)
    batch3 = batch.astype(jnp.int32).reshape(N // R, 1, R)

    h1 = _tc_mm(x, W1)
    deg2 = _make_sc_degree(nchunks)(dstp, onesH, zerosH)
    h1p, dinv16 = _tc_first(deg2, h1)
    scat = _make_sc_scatter(c0, c1)
    S1 = scat(h1p, srcp_s, dstp_s, zerosH)
    h2p = _tc_mid(S1, h1p, dinv16, b1r, W2)
    S2 = scat(h2p, srcp_s, dstp_s, zerosH)
    h3p = _tc_mid(S2, h2p, dinv16, b2r, W3)
    S3 = scat(h3p, srcp_s, dstp_s, zerosH)
    logits = _tc_final(S3, h3p, dinv16, b3r, batch3, Wcp, bcp)
    return logits[:, :C]

# --- scband reference (transcript-rebuilt; emitter-appended) ---
"""Pipeline reference for scband-gcngraph-classifier-84490596647536 (READ-ONLY COPY).

The authoritative reference and input builder live on the scoring server;
editing this copy changes nothing except your own understanding.
"""

import jax, jax.numpy as jnp
import numpy as np

N = 10000
E = 320000
D = 128
H = 128
C = 10
G = 64


def setup_inputs(seed: int = 0) -> dict:
    key = jax.random.key(seed)
    ks = jax.random.split(key, 12)
    x = jax.random.normal(ks[0], (N, D), dtype=jnp.float32)
    edge_index = jax.random.randint(ks[1], (2, E), 0, N)
    batch = jnp.sort(jax.random.randint(ks[2], (N,), 0, G))
    s1 = 1.0 / np.sqrt(D)
    s2 = 1.0 / np.sqrt(H)
    W1 = jax.random.normal(ks[3], (D, H), dtype=jnp.float32) * s1
    b1 = jnp.zeros((H,), dtype=jnp.float32)
    W2 = jax.random.normal(ks[4], (H, H), dtype=jnp.float32) * s2
    b2 = jnp.zeros((H,), dtype=jnp.float32)
    W3 = jax.random.normal(ks[5], (H, H), dtype=jnp.float32) * s2
    b3 = jnp.zeros((H,), dtype=jnp.float32)
    Wc = jax.random.normal(ks[6], (H, C), dtype=jnp.float32) * s2
    bc = jnp.zeros((C,), dtype=jnp.float32)
    return {"x": x, "edge_index": edge_index, "batch": batch,
            "W1": W1, "b1": b1, "W2": W2, "b2": b2, "W3": W3, "b3": b3,
            "Wc": Wc, "bc": bc}


def _gcn_conv(x, src, dst, W, b, n_nodes):
    # GCNConv: x' = D^{-1/2} (A + I) D^{-1/2} x W + b (self-loops already in src/dst)
    h = x @ W
    ones = jnp.ones((src.shape[0],), dtype=x.dtype)
    deg = jax.ops.segment_sum(ones, dst, num_segments=n_nodes)
    dinv = jnp.where(deg > 0, 1.0 / jnp.sqrt(deg), 0.0)
    norm = dinv[src] * dinv[dst]
    msg = h[src] * norm[:, None]
    out = jax.ops.segment_sum(msg, dst, num_segments=n_nodes)
    return out + b


def reference(x, edge_index, batch, W1, b1, W2, b2, W3, b3, Wc, bc):
    n_nodes = x.shape[0]
    loop = jnp.arange(n_nodes, dtype=edge_index.dtype)
    src = jnp.concatenate([edge_index[0], loop])
    dst = jnp.concatenate([edge_index[1], loop])
    h = jax.nn.relu(_gcn_conv(x, src, dst, W1, b1, n_nodes))
    # dropout is identity in eval mode
    h = jax.nn.relu(_gcn_conv(h, src, dst, W2, b2, n_nodes))
    h = jax.nn.relu(_gcn_conv(h, src, dst, W3, b3, n_nodes))
    sums = jax.ops.segment_sum(h, batch, num_segments=G)
    counts = jax.ops.segment_sum(jnp.ones((n_nodes,), h.dtype), batch, num_segments=G)
    graph_emb = sums / jnp.maximum(counts, 1.0)[:, None]
    return graph_emb @ Wc + bc

if __name__ == "__main__":
    import jax
    _d = setup_inputs()
    print(jax.jit(kernel)(*tuple(_d.values())))

</pallas_src>

<mosaic_0001>
#map = affine_map<(d0, d1) -> (0, 0, 0)>
#map1 = affine_map<(d0, d1) -> (0, 0)>
module attributes {stable_mosaic.version = 14 : i64} {
  func.func @deg_kernel(%arg0: i32, %arg1: i32, %arg2: memref<32x79x128xi32, #tpu.memory_space<hbm>>, %arg3: memref<128x128xf32, #tpu.memory_space<hbm>>, %arg4: memref<640x128xf32, #tpu.memory_space<hbm>>, %arg5: memref<2x10240x128xf32, #tpu.memory_space<hbm>>, %arg6: memref<10240x128xf32, #tpu.memory_space<vmem_shared>>, %arg7: memref<79x128xi32, #tpu.memory_space<vmem>>, %arg8: memref<128x128xf32, #tpu.memory_space<vmem>>) attributes {dimension_semantics = [#tpu.dimension_semantics<core_parallel>, #tpu.dimension_semantics<subcore_parallel>], iteration_bounds = array<i64: 2, 16>, scalar_prefetch = 0 : i64, scratch_operands = 3 : i64, tpu.core_type = #tpu.core_type<sc_vector_subcore>, window_params = [{transform_indices = #map}, {transform_indices = #map1}, {transform_indices = #map1}, {transform_indices = #map}]} {
    %mul3A = arith.constant 16 : i32
    %mul3A_0 = arith.muli %arg0, %mul3A : i32
    %add3A = arith.addi %mul3A_0, %arg1 : i32
    "tpu.region"() ({
      %run_scoped3A = tpu.sem_alloc : memref<!tpu.dma_semaphore, #tpu.memory_space<semaphore_mem>>
      %dma_start3A = arith.constant 0 : i32
      %dma_start3A_13 = arith.constant 0 : i32
      %dma_start3A_14 = tpu.memref_slice %arg2[%add3A, %dma_start3A, %dma_start3A_13] : memref<32x79x128xi32, #tpu.memory_space<hbm>> -> memref<1x79x128xi32, #tpu.memory_space<hbm>>
      %dma_start3A_15 = tpu.memref_squeeze %dma_start3A_14 : memref<1x79x128xi32, #tpu.memory_space<hbm>> -> memref<79x128xi32, #tpu.memory_space<hbm>>
      %dma_start3A_16 = arith.constant 0 : i32
      %dma_start3A_17 = arith.constant 0 : i32
      %dma_start3A_18 = tpu.memref_slice %arg2[%add3A, %dma_start3A_16, %dma_start3A_17] : memref<32x79x128xi32, #tpu.memory_space<hbm>> -> memref<1x79x128xi32, #tpu.memory_space<hbm>>
      %dma_start3A_19 = tpu.memref_squeeze %dma_start3A_18 : memref<1x79x128xi32, #tpu.memory_space<hbm>> -> memref<79x128xi32, #tpu.memory_space<hbm>>
      tpu.enqueue_dma source(%dma_start3A_19 : memref<79x128xi32, #tpu.memory_space<hbm>>) target(%arg7 : memref<79x128xi32, #tpu.memory_space<vmem>>) target_semaphore(%run_scoped3A : memref<!tpu.dma_semaphore, #tpu.memory_space<semaphore_mem>>)
      %dma_wait3A = arith.constant 0 : i32
      %dma_wait3A_20 = arith.constant 0 : i32
      %dma_wait3A_21 = tpu.memref_slice %arg2[%add3A, %dma_wait3A, %dma_wait3A_20] : memref<32x79x128xi32, #tpu.memory_space<hbm>> -> memref<1x79x128xi32, #tpu.memory_space<hbm>>
      %dma_wait3A_22 = tpu.memref_squeeze %dma_wait3A_21 : memref<1x79x128xi32, #tpu.memory_space<hbm>> -> memref<79x128xi32, #tpu.memory_space<hbm>>
      %dma_wait3A_23 = arith.constant 0 : i32
      %dma_wait3A_24 = arith.constant 0 : i32
      %dma_wait3A_25 = tpu.memref_slice %arg2[%add3A, %dma_wait3A_23, %dma_wait3A_24] : memref<32x79x128xi32, #tpu.memory_space<hbm>> -> memref<1x79x128xi32, #tpu.memory_space<hbm>>
      %dma_wait3A_26 = tpu.memref_squeeze %dma_wait3A_25 : memref<1x79x128xi32, #tpu.memory_space<hbm>> -> memref<79x128xi32, #tpu.memory_space<hbm>>
      tpu.wait_dma2 semaphore(%run_scoped3A : memref<!tpu.dma_semaphore, #tpu.memory_space<semaphore_mem>>) src(%dma_wait3A_26 : memref<79x128xi32, #tpu.memory_space<hbm>>) dst(%arg7 : memref<79x128xi32, #tpu.memory_space<vmem>>)
      tpu.yield
    }) : () -> ()
    "tpu.region"() ({
      %run_scoped3A = tpu.sem_alloc : memref<!tpu.dma_semaphore, #tpu.memory_space<semaphore_mem>>
      tpu.enqueue_dma source(%arg3 : memref<128x128xf32, #tpu.memory_space<hbm>>) target(%arg8 : memref<128x128xf32, #tpu.memory_space<vmem>>) target_semaphore(%run_scoped3A : memref<!tpu.dma_semaphore, #tpu.memory_space<semaphore_mem>>)
      tpu.wait_dma2 semaphore(%run_scoped3A : memref<!tpu.dma_semaphore, #tpu.memory_space<semaphore_mem>>) src(%arg3 : memref<128x128xf32, #tpu.memory_space<hbm>>) dst(%arg8 : memref<128x128xf32, #tpu.memory_space<vmem>>)
      tpu.yield
    }) : () -> ()
    %mul3A_1 = arith.constant 640 : i32
    %mul3A_2 = arith.muli %arg1, %mul3A_1 : i32
    "tpu.region"() ({
      %run_scoped3A = tpu.sem_alloc : memref<!tpu.dma_semaphore, #tpu.memory_space<semaphore_mem>>
      %dma_start3A = arith.constant 0 : i32
      %dma_start3A_13 = tpu.memref_slice %arg6[%mul3A_2, %dma_start3A] : memref<10240x128xf32, #tpu.memory_space<vmem_shared>> -> memref<640x128xf32, #tpu.memory_space<vmem_shared>>
      tpu.enqueue_dma source(%arg4 : memref<640x128xf32, #tpu.memory_space<hbm>>) target(%dma_start3A_13 : memref<640x128xf32, #tpu.memory_space<vmem_shared>>) target_semaphore(%run_scoped3A : memref<!tpu.dma_semaphore, #tpu.memory_space<semaphore_mem>>)
      %dma_wait3A = arith.constant 0 : i32
      %dma_wait3A_14 = tpu.memref_slice %arg6[%mul3A_2, %dma_wait3A] : memref<10240x128xf32, #tpu.memory_space<vmem_shared>> -> memref<640x128xf32, #tpu.memory_space<vmem_shared>>
      tpu.wait_dma2 semaphore(%run_scoped3A : memref<!tpu.dma_semaphore, #tpu.memory_space<semaphore_mem>>) src(%arg4 : memref<640x128xf32, #tpu.memory_space<hbm>>) dst(%dma_wait3A_14 : memref<640x128xf32, #tpu.memory_space<vmem_shared>>)
      tpu.yield
    }) : () -> ()
    %barrier3A = arith.constant 0 : index
    tpu.barrier barrier_id(%barrier3A)
    %scan3A = arith.constant 0 : i32
    %scan3A_3 = arith.constant 0 : i32
    %scan3A_4 = arith.constant 79 : i32
    %scan3A_5 = arith.addi %scan3A_3, %scan3A_4 : i32
    %scan3A_6 = arith.constant 1 : i32
    scf.for %scan3A_13 = %scan3A_3 to %scan3A_5 step %scan3A_6  : i32 {
      "tpu.region"() ({
        %run_scoped3A = tpu.sem_alloc : memref<!tpu.dma_semaphore, #tpu.memory_space<semaphore_mem>>
        %dma_start3A = arith.constant 0 : i32
        %dma_start3A_14 = tpu.memref_slice %arg7[%scan3A_13, %dma_start3A] : memref<79x128xi32, #tpu.memory_space<vmem>> -> memref<1x128xi32, #tpu.memory_space<vmem>>
        %dma_start3A_15 = tpu.memref_squeeze %dma_start3A_14 : memref<1x128xi32, #tpu.memory_space<vmem>> -> memref<128xi32, #tpu.memory_space<vmem>>
        %dma_start3A_16 = arith.constant 0 : i32
        %dma_start3A_17 = arith.constant 0 : i32
        %dma_start3A_18 = tpu.memref_slice %arg6[%dma_start3A_16, %dma_start3A_17] : memref<10240x128xf32, #tpu.memory_space<vmem_shared>> -> memref<10240x128xf32, #tpu.memory_space<vmem_shared>>
        tpu.enqueue_indirect_dma source(%arg8 : memref<128x128xf32, #tpu.memory_space<vmem>>) target(%dma_start3A_18 : memref<10240x128xf32, #tpu.memory_space<vmem_shared>>) offsets(%dma_start3A_15 : memref<128xi32, #tpu.memory_space<vmem>>) semaphore(%run_scoped3A : memref<!tpu.dma_semaphore, #tpu.memory_space<semaphore_mem>>) {add = true}
        %dma_wait3A = arith.constant 0 : i32
        %dma_wait3A_19 = tpu.memref_slice %arg7[%scan3A_13, %dma_wait3A] : memref<79x128xi32, #tpu.memory_space<vmem>> -> memref<1x128xi32, #tpu.memory_space<vmem>>
        %dma_wait3A_20 = tpu.memref_squeeze %dma_wait3A_19 : memref<1x128xi32, #tpu.memory_space<vmem>> -> memref<128xi32, #tpu.memory_space<vmem>>
        %dma_wait3A_21 = arith.constant 0 : i32
        %dma_wait3A_22 = arith.constant 0 : i32
        %dma_wait3A_23 = tpu.memref_slice %arg6[%dma_wait3A_21, %dma_wait3A_22] : memref<10240x128xf32, #tpu.memory_space<vmem_shared>> -> memref<10240x128xf32, #tpu.memory_space<vmem_shared>>
        tpu.wait_indirect_dma semaphore(%run_scoped3A : memref<!tpu.dma_semaphore, #tpu.memory_space<semaphore_mem>>) src(%arg8 : memref<128x128xf32, #tpu.memory_space<vmem>>) dst(%dma_wait3A_23 : memref<10240x128xf32, #tpu.memory_space<vmem_shared>>)
        tpu.yield
      }) : () -> ()
    }
    %scan3A_7 = arith.constant 79 : i32
    %barrier3A_8 = arith.constant 0 : index
    tpu.barrier barrier_id(%barrier3A_8)
    %mul3A_9 = arith.constant 640 : i32
    %mul3A_10 = arith.muli %arg1, %mul3A_9 : i32
    %mul3A_11 = arith.constant 640 : i32
    %mul3A_12 = arith.muli %arg1, %mul3A_11 : i32
    "tpu.region"() ({
      %run_scoped3A = tpu.sem_alloc : memref<!tpu.dma_semaphore, #tpu.memory_space<semaphore_mem>>
      %dma_start3A = arith.constant 0 : i32
      %dma_start3A_13 = tpu.memref_slice %arg5[%arg0, %mul3A_12, %dma_start3A] : memref<2x10240x128xf32, #tpu.memory_space<hbm>> -> memref<1x640x128xf32, #tpu.memory_space<hbm>>
      %dma_start3A_14 = tpu.memref_squeeze %dma_start3A_13 : memref<1x640x128xf32, #tpu.memory_space<hbm>> -> memref<640x128xf32, #tpu.memory_space<hbm>>
      %dma_start3A_15 = arith.constant 0 : i32
      %dma_start3A_16 = tpu.memref_slice %arg6[%mul3A_10, %dma_start3A_15] : memref<10240x128xf32, #tpu.memory_space<vmem_shared>> -> memref<640x128xf32, #tpu.memory_space<vmem_shared>>
      tpu.enqueue_dma source(%dma_start3A_16 : memref<640x128xf32, #tpu.memory_space<vmem_shared>>) target(%dma_start3A_14 : memref<640x128xf32, #tpu.memory_space<hbm>>) target_semaphore(%run_scoped3A : memref<!tpu.dma_semaphore, #tpu.memory_space<semaphore_mem>>)
      %dma_wait3A = arith.constant 0 : i32
      %dma_wait3A_17 = tpu.memref_slice %arg5[%arg0, %mul3A_12, %dma_wait3A] : memref<2x10240x128xf32, #tpu.memory_space<hbm>> -> memref<1x640x128xf32, #tpu.memory_space<hbm>>
      %dma_wait3A_18 = tpu.memref_squeeze %dma_wait3A_17 : memref<1x640x128xf32, #tpu.memory_space<hbm>> -> memref<640x128xf32, #tpu.memory_space<hbm>>
      %dma_wait3A_19 = arith.constant 0 : i32
      %dma_wait3A_20 = tpu.memref_slice %arg6[%mul3A_10, %dma_wait3A_19] : memref<10240x128xf32, #tpu.memory_space<vmem_shared>> -> memref<640x128xf32, #tpu.memory_space<vmem_shared>>
      tpu.wait_dma2 semaphore(%run_scoped3A : memref<!tpu.dma_semaphore, #tpu.memory_space<semaphore_mem>>) src(%dma_wait3A_20 : memref<640x128xf32, #tpu.memory_space<vmem_shared>>) dst(%dma_wait3A_18 : memref<640x128xf32, #tpu.memory_space<hbm>>)
      tpu.yield
    }) : () -> ()
    return
  }
}

#map = affine_map<(d0, d1) -> (0, 0)>
#map1 = affine_map<(d0, d1) -> (0, 0, 0)>
module attributes {stable_mosaic.version = 14 : i64} {
  func.func @scat_kernel(%arg0: i32, %arg1: i32, %arg2: memref<10000x128xf32, #tpu.memory_space<hbm>>, %arg3: memref<32x97x128xi32, #tpu.memory_space<hbm>>, %arg4: memref<32x97x128xi32, #tpu.memory_space<hbm>>, %arg5: memref<640x128xf32, #tpu.memory_space<hbm>>, %arg6: memref<2x10240x128xf32, #tpu.memory_space<hbm>>, %arg7: memref<10240x128xf32, #tpu.memory_space<vmem_shared>>, %arg8: memref<97x128xi32, #tpu.memory_space<vmem>>, %arg9: memref<97x128xi32, #tpu.memory_space<vmem>>, %arg10: memref<64x128xf32, #tpu.memory_space<vmem>>, %arg11: memref<64x128xf32, #tpu.memory_space<vmem>>, %arg12: memref<!tpu.dma_semaphore, #tpu.memory_space<semaphore_mem>>, %arg13: memref<!tpu.dma_semaphore, #tpu.memory_space<semaphore_mem>>) attributes {dimension_semantics = [#tpu.dimension_semantics<core_parallel>, #tpu.dimension_semantics<subcore_parallel>], iteration_bounds = array<i64: 2, 16>, scalar_prefetch = 0 : i64, scratch_operands = 7 : i64, tpu.core_type = #tpu.core_type<sc_vector_subcore>, window_params = [{transform_indices = #map}, {transform_indices = #map1}, {transform_indices = #map1}, {transform_indices = #map}, {transform_indices = #map1}]} {
    %mul3A = arith.constant 16 : i32
    %mul3A_0 = arith.muli %arg0, %mul3A : i32
    %add3A = arith.addi %mul3A_0, %arg1 : i32
    %eq3A = arith.constant 0 : i32
    %eq3A_1 = arith.cmpi eq, %arg0, %eq3A : i32
    %jit3A = arith.constant 97 : i32
    %jit3A_2 = arith.constant 60 : i32
    %select_n3A = arith.select %eq3A_1, %jit3A, %jit3A_2 : i32
    "tpu.region"() ({
      %run_scoped3A = tpu.sem_alloc : memref<!tpu.dma_semaphore, #tpu.memory_space<semaphore_mem>>
      %dma_start3A_31 = arith.constant 0 : i32
      %dma_start3A_32 = arith.constant 0 : i32
      %dma_start3A_33 = tpu.memref_slice %arg3[%add3A, %dma_start3A_31, %dma_start3A_32] : memref<32x97x128xi32, #tpu.memory_space<hbm>> -> memref<1x97x128xi32, #tpu.memory_space<hbm>>
      %dma_start3A_34 = tpu.memref_squeeze %dma_start3A_33 : memref<1x97x128xi32, #tpu.memory_space<hbm>> -> memref<97x128xi32, #tpu.memory_space<hbm>>
      %dma_start3A_35 = arith.constant 0 : i32
      %dma_start3A_36 = arith.constant 0 : i32
      %dma_start3A_37 = tpu.memref_slice %arg3[%add3A, %dma_start3A_35, %dma_start3A_36] : memref<32x97x128xi32, #tpu.memory_space<hbm>> -> memref<1x97x128xi32, #tpu.memory_space<hbm>>
      %dma_start3A_38 = tpu.memref_squeeze %dma_start3A_37 : memref<1x97x128xi32, #tpu.memory_space<hbm>> -> memref<97x128xi32, #tpu.memory_space<hbm>>
      tpu.enqueue_dma source(%dma_start3A_38 : memref<97x128xi32, #tpu.memory_space<hbm>>) target(%arg8 : memref<97x128xi32, #tpu.memory_space<vmem>>) target_semaphore(%run_scoped3A : memref<!tpu.dma_semaphore, #tpu.memory_space<semaphore_mem>>)
      %dma_wait3A_39 = arith.constant 0 : i32
      %dma_wait3A_40 = arith.constant 0 : i32
      %dma_wait3A_41 = tpu.memref_slice %arg3[%add3A, %dma_wait3A_39, %dma_wait3A_40] : memref<32x97x128xi32, #tpu.memory_space<hbm>> -> memref<1x97x128xi32, #tpu.memory_space<hbm>>
      %dma_wait3A_42 = tpu.memref_squeeze %dma_wait3A_41 : memref<1x97x128xi32, #tpu.memory_space<hbm>> -> memref<97x128xi32, #tpu.memory_space<hbm>>
      %dma_wait3A_43 = arith.constant 0 : i32
      %dma_wait3A_44 = arith.constant 0 : i32
      %dma_wait3A_45 = tpu.memref_slice %arg3[%add3A, %dma_wait3A_43, %dma_wait3A_44] : memref<32x97x128xi32, #tpu.memory_space<hbm>> -> memref<1x97x128xi32, #tpu.memory_space<hbm>>
      %dma_wait3A_46 = tpu.memref_squeeze %dma_wait3A_45 : memref<1x97x128xi32, #tpu.memory_space<hbm>> -> memref<97x128xi32, #tpu.memory_space<hbm>>
      tpu.wait_dma2 semaphore(%run_scoped3A : memref<!tpu.dma_semaphore, #tpu.memory_space<semaphore_mem>>) src(%dma_wait3A_46 : memref<97x128xi32, #tpu.memory_space<hbm>>) dst(%arg8 : memref<97x128xi32, #tpu.memory_space<vmem>>)
      tpu.yield
    }) : () -> ()
    "tpu.region"() ({
      %run_scoped3A = tpu.sem_alloc : memref<!tpu.dma_semaphore, #tpu.memory_space<semaphore_mem>>
      %dma_start3A_31 = arith.constant 0 : i32
      %dma_start3A_32 = arith.constant 0 : i32
      %dma_start3A_33 = tpu.memref_slice %arg4[%add3A, %dma_start3A_31, %dma_start3A_32] : memref<32x97x128xi32, #tpu.memory_space<hbm>> -> memref<1x97x128xi32, #tpu.memory_space<hbm>>
      %dma_start3A_34 = tpu.memref_squeeze %dma_start3A_33 : memref<1x97x128xi32, #tpu.memory_space<hbm>> -> memref<97x128xi32, #tpu.memory_space<hbm>>
      %dma_start3A_35 = arith.constant 0 : i32
      %dma_start3A_36 = arith.constant 0 : i32
      %dma_start3A_37 = tpu.memref_slice %arg4[%add3A, %dma_start3A_35, %dma_start3A_36] : memref<32x97x128xi32, #tpu.memory_space<hbm>> -> memref<1x97x128xi32, #tpu.memory_space<hbm>>
      %dma_start3A_38 = tpu.memref_squeeze %dma_start3A_37 : memref<1x97x128xi32, #tpu.memory_space<hbm>> -> memref<97x128xi32, #tpu.memory_space<hbm>>
      tpu.enqueue_dma source(%dma_start3A_38 : memref<97x128xi32, #tpu.memory_space<hbm>>) target(%arg9 : memref<97x128xi32, #tpu.memory_space<vmem>>) target_semaphore(%run_scoped3A : memref<!tpu.dma_semaphore, #tpu.memory_space<semaphore_mem>>)
      %dma_wait3A_39 = arith.constant 0 : i32
      %dma_wait3A_40 = arith.constant 0 : i32
      %dma_wait3A_41 = tpu.memref_slice %arg4[%add3A, %dma_wait3A_39, %dma_wait3A_40] : memref<32x97x128xi32, #tpu.memory_space<hbm>> -> memref<1x97x128xi32, #tpu.memory_space<hbm>>
      %dma_wait3A_42 = tpu.memref_squeeze %dma_wait3A_41 : memref<1x97x128xi32, #tpu.memory_space<hbm>> -> memref<97x128xi32, #tpu.memory_space<hbm>>
      %dma_wait3A_43 = arith.constant 0 : i32
      %dma_wait3A_44 = arith.constant 0 : i32
      %dma_wait3A_45 = tpu.memref_slice %arg4[%add3A, %dma_wait3A_43, %dma_wait3A_44] : memref<32x97x128xi32, #tpu.memory_space<hbm>> -> memref<1x97x128xi32, #tpu.memory_space<hbm>>
      %dma_wait3A_46 = tpu.memref_squeeze %dma_wait3A_45 : memref<1x97x128xi32, #tpu.memory_space<hbm>> -> memref<97x128xi32, #tpu.memory_space<hbm>>
      tpu.wait_dma2 semaphore(%run_scoped3A : memref<!tpu.dma_semaphore, #tpu.memory_space<semaphore_mem>>) src(%dma_wait3A_46 : memref<97x128xi32, #tpu.memory_space<hbm>>) dst(%arg9 : memref<97x128xi32, #tpu.memory_space<vmem>>)
      tpu.yield
    }) : () -> ()
    %mul3A_3 = arith.constant 640 : i32
    %mul3A_4 = arith.muli %arg1, %mul3A_3 : i32
    "tpu.region"() ({
      %run_scoped3A = tpu.sem_alloc : memref<!tpu.dma_semaphore, #tpu.memory_space<semaphore_mem>>
      %dma_start3A_31 = arith.constant 0 : i32
      %dma_start3A_32 = tpu.memref_slice %arg7[%mul3A_4, %dma_start3A_31] : memref<10240x128xf32, #tpu.memory_space<vmem_shared>> -> memref<640x128xf32, #tpu.memory_space<vmem_shared>>
      tpu.enqueue_dma source(%arg5 : memref<640x128xf32, #tpu.memory_space<hbm>>) target(%dma_start3A_32 : memref<640x128xf32, #tpu.memory_space<vmem_shared>>) target_semaphore(%run_scoped3A : memref<!tpu.dma_semaphore, #tpu.memory_space<semaphore_mem>>)
      %dma_wait3A_33 = arith.constant 0 : i32
      %dma_wait3A_34 = tpu.memref_slice %arg7[%mul3A_4, %dma_wait3A_33] : memref<10240x128xf32, #tpu.memory_space<vmem_shared>> -> memref<640x128xf32, #tpu.memory_space<vmem_shared>>
      tpu.wait_dma2 semaphore(%run_scoped3A : memref<!tpu.dma_semaphore, #tpu.memory_space<semaphore_mem>>) src(%arg5 : memref<640x128xf32, #tpu.memory_space<hbm>>) dst(%dma_wait3A_34 : memref<640x128xf32, #tpu.memory_space<vmem_shared>>)
      tpu.yield
    }) : () -> ()
    %barrier3A = arith.constant 0 : index
    tpu.barrier barrier_id(%barrier3A)
    %dma_start3A = arith.constant 0 : i32
    %dma_start3A_5 = arith.constant 0 : i32
    %dma_start3A_6 = tpu.memref_slice %arg8[%dma_start3A, %dma_start3A_5] : memref<97x128xi32, #tpu.memory_space<vmem>> -> memref<1x64xi32, #tpu.memory_space<vmem>>
    %dma_start3A_7 = tpu.memref_squeeze %dma_start3A_6 : memref<1x64xi32, #tpu.memory_space<vmem>> -> memref<64xi32, #tpu.memory_space<vmem>>
    %dma_start3A_8 = arith.constant 0 : i32
    %dma_start3A_9 = arith.constant 0 : i32
    %dma_start3A_10 = tpu.memref_slice %arg2[%dma_start3A_8, %dma_start3A_9] : memref<10000x128xf32, #tpu.memory_space<hbm>> -> memref<10000x128xf32, #tpu.memory_space<hbm>>
    tpu.enqueue_indirect_dma source(%dma_start3A_10 : memref<10000x128xf32, #tpu.memory_space<hbm>>) target(%arg10 : memref<64x128xf32, #tpu.memory_space<vmem>>) offsets(%dma_start3A_7 : memref<64xi32, #tpu.memory_space<vmem>>) semaphore(%arg12 : memref<!tpu.dma_semaphore, #tpu.memory_space<semaphore_mem>>)
    %while3A = arith.constant 0 : i32
    %while3A_11 = arith.constant 0 : i32
    %while3A_12 = arith.subi %select_n3A, %while3A_11 : i32
    %while3A_13 = arith.addi %while3A_11, %while3A_12 : i32
    %while3A_14 = arith.constant 1 : i32
    %while3A_15 = arith.divsi %while3A_12, %while3A_14 : i32
    %while3A_16 = arith.muli %while3A_15, %while3A_14 : i32
    %while3A_17 = arith.addi %while3A_11, %while3A_16 : i32
    %while3A_18 = arith.constant 1 : i32
    scf.for %while3A_31 = %while3A_11 to %while3A_17 step %while3A_18  : i32 {
      %add3A_32 = arith.constant 1 : i32
      %add3A_33 = arith.addi %while3A_31, %add3A_32 : i32
      %sub3A = arith.constant 1 : i32
      %sub3A_34 = arith.subi %select_n3A, %sub3A : i32
      %min3A = arith.minsi %add3A_33, %sub3A_34 : i32
      %dma_wait3A_35 = arith.constant 0 : i32
      %dma_wait3A_36 = tpu.memref_slice %arg8[%while3A_31, %dma_wait3A_35] : memref<97x128xi32, #tpu.memory_space<vmem>> -> memref<1x64xi32, #tpu.memory_space<vmem>>
      %dma_wait3A_37 = tpu.memref_squeeze %dma_wait3A_36 : memref<1x64xi32, #tpu.memory_space<vmem>> -> memref<64xi32, #tpu.memory_space<vmem>>
      %dma_wait3A_38 = arith.constant 0 : i32
      %dma_wait3A_39 = arith.constant 0 : i32
      %dma_wait3A_40 = tpu.memref_slice %arg2[%dma_wait3A_38, %dma_wait3A_39] : memref<10000x128xf32, #tpu.memory_space<hbm>> -> memref<10000x128xf32, #tpu.memory_space<hbm>>
      tpu.wait_indirect_dma semaphore(%arg12 : memref<!tpu.dma_semaphore, #tpu.memory_space<semaphore_mem>>) src(%dma_wait3A_40 : memref<10000x128xf32, #tpu.memory_space<hbm>>) dst(%arg10 : memref<64x128xf32, #tpu.memory_space<vmem>>)
      %dma_start3A_41 = arith.constant 64 : i32
      %dma_start3A_42 = tpu.memref_slice %arg8[%while3A_31, %dma_start3A_41] : memref<97x128xi32, #tpu.memory_space<vmem>> -> memref<1x64xi32, #tpu.memory_space<vmem>>
      %dma_start3A_43 = tpu.memref_squeeze %dma_start3A_42 : memref<1x64xi32, #tpu.memory_space<vmem>> -> memref<64xi32, #tpu.memory_space<vmem>>
      %dma_start3A_44 = arith.constant 0 : i32
      %dma_start3A_45 = arith.constant 0 : i32
      %dma_start3A_46 = tpu.memref_slice %arg2[%dma_start3A_44, %dma_start3A_45] : memref<10000x128xf32, #tpu.memory_space<hbm>> -> memref<10000x128xf32, #tpu.memory_space<hbm>>
      tpu.enqueue_indirect_dma source(%dma_start3A_46 : memref<10000x128xf32, #tpu.memory_space<hbm>>) target(%arg11 : memref<64x128xf32, #tpu.memory_space<vmem>>) offsets(%dma_start3A_43 : memref<64xi32, #tpu.memory_space<vmem>>) semaphore(%arg13 : memref<!tpu.dma_semaphore, #tpu.memory_space<semaphore_mem>>)
      "tpu.region"() ({
        %run_scoped3A = tpu.sem_alloc : memref<!tpu.dma_semaphore, #tpu.memory_space<semaphore_mem>>
        %dma_start3A_59 = arith.constant 0 : i32
        %dma_start3A_60 = tpu.memref_slice %arg9[%while3A_31, %dma_start3A_59] : memref<97x128xi32, #tpu.memory_space<vmem>> -> memref<1x64xi32, #tpu.memory_space<vmem>>
        %dma_start3A_61 = tpu.memref_squeeze %dma_start3A_60 : memref<1x64xi32, #tpu.memory_space<vmem>> -> memref<64xi32, #tpu.memory_space<vmem>>
        %dma_start3A_62 = arith.constant 0 : i32
        %dma_start3A_63 = arith.constant 0 : i32
        %dma_start3A_64 = tpu.memref_slice %arg7[%dma_start3A_62, %dma_start3A_63] : memref<10240x128xf32, #tpu.memory_space<vmem_shared>> -> memref<10240x128xf32, #tpu.memory_space<vmem_shared>>
        tpu.enqueue_indirect_dma source(%arg10 : memref<64x128xf32, #tpu.memory_space<vmem>>) target(%dma_start3A_64 : memref<10240x128xf32, #tpu.memory_space<vmem_shared>>) offsets(%dma_start3A_61 : memref<64xi32, #tpu.memory_space<vmem>>) semaphore(%run_scoped3A : memref<!tpu.dma_semaphore, #tpu.memory_space<semaphore_mem>>) {add = true}
        %dma_wait3A_65 = arith.constant 0 : i32
        %dma_wait3A_66 = tpu.memref_slice %arg9[%while3A_31, %dma_wait3A_65] : memref<97x128xi32, #tpu.memory_space<vmem>> -> memref<1x64xi32, #tpu.memory_space<vmem>>
        %dma_wait3A_67 = tpu.memref_squeeze %dma_wait3A_66 : memref<1x64xi32, #tpu.memory_space<vmem>> -> memref<64xi32, #tpu.memory_space<vmem>>
        %dma_wait3A_68 = arith.constant 0 : i32
        %dma_wait3A_69 = arith.constant 0 : i32
        %dma_wait3A_70 = tpu.memref_slice %arg7[%dma_wait3A_68, %dma_wait3A_69] : memref<10240x128xf32, #tpu.memory_space<vmem_shared>> -> memref<10240x128xf32, #tpu.memory_space<vmem_shared>>
        tpu.wait_indirect_dma semaphore(%run_scoped3A : memref<!tpu.dma_semaphore, #tpu.memory_space<semaphore_mem>>) src(%arg10 : memref<64x128xf32, #tpu.memory_space<vmem>>) dst(%dma_wait3A_70 : memref<10240x128xf32, #tpu.memory_space<vmem_shared>>)
        tpu.yield
      }) : () -> ()
      %dma_wait3A_47 = arith.constant 64 : i32
      %dma_wait3A_48 = tpu.memref_slice %arg8[%while3A_31, %dma_wait3A_47] : memref<97x128xi32, #tpu.memory_space<vmem>> -> memref<1x64xi32, #tpu.memory_space<vmem>>
      %dma_wait3A_49 = tpu.memref_squeeze %dma_wait3A_48 : memref<1x64xi32, #tpu.memory_space<vmem>> -> memref<64xi32, #tpu.memory_space<vmem>>
      %dma_wait3A_50 = arith.constant 0 : i32
      %dma_wait3A_51 = arith.constant 0 : i32
      %dma_wait3A_52 = tpu.memref_slice %arg2[%dma_wait3A_50, %dma_wait3A_51] : memref<10000x128xf32, #tpu.memory_space<hbm>> -> memref<10000x128xf32, #tpu.memory_space<hbm>>
      tpu.wait_indirect_dma semaphore(%arg13 : memref<!tpu.dma_semaphore, #tpu.memory_space<semaphore_mem>>) src(%dma_wait3A_52 : memref<10000x128xf32, #tpu.memory_space<hbm>>) dst(%arg11 : memref<64x128xf32, #tpu.memory_space<vmem>>)
      %dma_start3A_53 = arith.constant 0 : i32
      %dma_start3A_54 = tpu.memref_slice %arg8[%min3A, %dma_start3A_53] : memref<97x128xi32, #tpu.memory_space<vmem>> -> memref<1x64xi32, #tpu.memory_space<vmem>>
      %dma_start3A_55 = tpu.memref_squeeze %dma_start3A_54 : memref<1x64xi32, #tpu.memory_space<vmem>> -> memref<64xi32, #tpu.memory_space<vmem>>
      %dma_start3A_56 = arith.constant 0 : i32
      %dma_start3A_57 = arith.constant 0 : i32
      %dma_start3A_58 = tpu.memref_slice %arg2[%dma_start3A_56, %dma_start3A_57] : memref<10000x128xf32, #tpu.memory_space<hbm>> -> memref<10000x128xf32, #tpu.memory_space<hbm>>
      tpu.enqueue_indirect_dma source(%dma_start3A_58 : memref<10000x128xf32, #tpu.memory_space<hbm>>) target(%arg10 : memref<64x128xf32, #tpu.memory_space<vmem>>) offsets(%dma_start3A_55 : memref<64xi32, #tpu.memory_space<vmem>>) semaphore(%arg12 : memref<!tpu.dma_semaphore, #tpu.memory_space<semaphore_mem>>)
      "tpu.region"() ({
        %run_scoped3A = tpu.sem_alloc : memref<!tpu.dma_semaphore, #tpu.memory_space<semaphore_mem>>
        %dma_start3A_59 = arith.constant 64 : i32
        %dma_start3A_60 = tpu.memref_slice %arg9[%while3A_31, %dma_start3A_59] : memref<97x128xi32, #tpu.memory_space<vmem>> -> memref<1x64xi32, #tpu.memory_space<vmem>>
        %dma_start3A_61 = tpu.memref_squeeze %dma_start3A_60 : memref<1x64xi32, #tpu.memory_space<vmem>> -> memref<64xi32, #tpu.memory_space<vmem>>
        %dma_start3A_62 = arith.constant 0 : i32
        %dma_start3A_63 = arith.constant 0 : i32
        %dma_start3A_64 = tpu.memref_slice %arg7[%dma_start3A_62, %dma_start3A_63] : memref<10240x128xf32, #tpu.memory_space<vmem_shared>> -> memref<10240x128xf32, #tpu.memory_space<vmem_shared>>
        tpu.enqueue_indirect_dma source(%arg11 : memref<64x128xf32, #tpu.memory_space<vmem>>) target(%dma_start3A_64 : memref<10240x128xf32, #tpu.memory_space<vmem_shared>>) offsets(%dma_start3A_61 : memref<64xi32, #tpu.memory_space<vmem>>) semaphore(%run_scoped3A : memref<!tpu.dma_semaphore, #tpu.memory_space<semaphore_mem>>) {add = true}
        %dma_wait3A_65 = arith.constant 64 : i32
        %dma_wait3A_66 = tpu.memref_slice %arg9[%while3A_31, %dma_wait3A_65] : memref<97x128xi32, #tpu.memory_space<vmem>> -> memref<1x64xi32, #tpu.memory_space<vmem>>
        %dma_wait3A_67 = tpu.memref_squeeze %dma_wait3A_66 : memref<1x64xi32, #tpu.memory_space<vmem>> -> memref<64xi32, #tpu.memory_space<vmem>>
        %dma_wait3A_68 = arith.constant 0 : i32
        %dma_wait3A_69 = arith.constant 0 : i32
        %dma_wait3A_70 = tpu.memref_slice %arg7[%dma_wait3A_68, %dma_wait3A_69] : memref<10240x128xf32, #tpu.memory_space<vmem_shared>> -> memref<10240x128xf32, #tpu.memory_space<vmem_shared>>
        tpu.wait_indirect_dma semaphore(%run_scoped3A : memref<!tpu.dma_semaphore, #tpu.memory_space<semaphore_mem>>) src(%arg11 : memref<64x128xf32, #tpu.memory_space<vmem>>) dst(%dma_wait3A_70 : memref<10240x128xf32, #tpu.memory_space<vmem_shared>>)
        tpu.yield
      }) : () -> ()
    }
    %while3A_19 = arith.constant 1 : i32
    scf.for %while3A_31 = %while3A_17 to %while3A_13 step %while3A_19  : i32 {
      %add3A_32 = arith.constant 1 : i32
      %add3A_33 = arith.addi %while3A_31, %add3A_32 : i32
      %sub3A = arith.constant 1 : i32
      %sub3A_34 = arith.subi %select_n3A, %sub3A : i32
      %min3A = arith.minsi %add3A_33, %sub3A_34 : i32
      %dma_wait3A_35 = arith.constant 0 : i32
      %dma_wait3A_36 = tpu.memref_slice %arg8[%while3A_31, %dma_wait3A_35] : memref<97x128xi32, #tpu.memory_space<vmem>> -> memref<1x64xi32, #tpu.memory_space<vmem>>
      %dma_wait3A_37 = tpu.memref_squeeze %dma_wait3A_36 : memref<1x64xi32, #tpu.memory_space<vmem>> -> memref<64xi32, #tpu.memory_space<vmem>>
      %dma_wait3A_38 = arith.constant 0 : i32
      %dma_wait3A_39 = arith.constant 0 : i32
      %dma_wait3A_40 = tpu.memref_slice %arg2[%dma_wait3A_38, %dma_wait3A_39] : memref<10000x128xf32, #tpu.memory_space<hbm>> -> memref<10000x128xf32, #tpu.memory_space<hbm>>
      tpu.wait_indirect_dma semaphore(%arg12 : memref<!tpu.dma_semaphore, #tpu.memory_space<semaphore_mem>>) src(%dma_wait3A_40 : memref<10000x128xf32, #tpu.memory_space<hbm>>) dst(%arg10 : memref<64x128xf32, #tpu.memory_space<vmem>>)
      %dma_start3A_41 = arith.constant 64 : i32
      %dma_start3A_42 = tpu.memref_slice %arg8[%while3A_31, %dma_start3A_41] : memref<97x128xi32, #tpu.memory_space<vmem>> -> memref<1x64xi32, #tpu.memory_space<vmem>>
      %dma_start3A_43 = tpu.memref_squeeze %dma_start3A_42 : memref<1x64xi32, #tpu.memory_space<vmem>> -> memref<64xi32, #tpu.memory_space<vmem>>
      %dma_start3A_44 = arith.constant 0 : i32
      %dma_start3A_45 = arith.constant 0 : i32
      %dma_start3A_46 = tpu.memref_slice %arg2[%dma_start3A_44, %dma_start3A_45] : memref<10000x128xf32, #tpu.memory_space<hbm>> -> memref<10000x128xf32, #tpu.memory_space<hbm>>
      tpu.enqueue_indirect_dma source(%dma_start3A_46 : memref<10000x128xf32, #tpu.memory_space<hbm>>) target(%arg11 : memref<64x128xf32, #tpu.memory_space<vmem>>) offsets(%dma_start3A_43 : memref<64xi32, #tpu.memory_space<vmem>>) semaphore(%arg13 : memref<!tpu.dma_semaphore, #tpu.memory_space<semaphore_mem>>)
      "tpu.region"() ({
        %run_scoped3A = tpu.sem_alloc : memref<!tpu.dma_semaphore, #tpu.memory_space<semaphore_mem>>
        %dma_start3A_59 = arith.constant 0 : i32
        %dma_start3A_60 = tpu.memref_slice %arg9[%while3A_31, %dma_start3A_59] : memref<97x128xi32, #tpu.memory_space<vmem>> -> memref<1x64xi32, #tpu.memory_space<vmem>>
        %dma_start3A_61 = tpu.memref_squeeze %dma_start3A_60 : memref<1x64xi32, #tpu.memory_space<vmem>> -> memref<64xi32, #tpu.memory_space<vmem>>
        %dma_start3A_62 = arith.constant 0 : i32
        %dma_start3A_63 = arith.constant 0 : i32
        %dma_start3A_64 = tpu.memref_slice %arg7[%dma_start3A_62, %dma_start3A_63] : memref<10240x128xf32, #tpu.memory_space<vmem_shared>> -> memref<10240x128xf32, #tpu.memory_space<vmem_shared>>
        tpu.enqueue_indirect_dma source(%arg10 : memref<64x128xf32, #tpu.memory_space<vmem>>) target(%dma_start3A_64 : memref<10240x128xf32, #tpu.memory_space<vmem_shared>>) offsets(%dma_start3A_61 : memref<64xi32, #tpu.memory_space<vmem>>) semaphore(%run_scoped3A : memref<!tpu.dma_semaphore, #tpu.memory_space<semaphore_mem>>) {add = true}
        %dma_wait3A_65 = arith.constant 0 : i32
        %dma_wait3A_66 = tpu.memref_slice %arg9[%while3A_31, %dma_wait3A_65] : memref<97x128xi32, #tpu.memory_space<vmem>> -> memref<1x64xi32, #tpu.memory_space<vmem>>
        %dma_wait3A_67 = tpu.memref_squeeze %dma_wait3A_66 : memref<1x64xi32, #tpu.memory_space<vmem>> -> memref<64xi32, #tpu.memory_space<vmem>>
        %dma_wait3A_68 = arith.constant 0 : i32
        %dma_wait3A_69 = arith.constant 0 : i32
        %dma_wait3A_70 = tpu.memref_slice %arg7[%dma_wait3A_68, %dma_wait3A_69] : memref<10240x128xf32, #tpu.memory_space<vmem_shared>> -> memref<10240x128xf32, #tpu.memory_space<vmem_shared>>
        tpu.wait_indirect_dma semaphore(%run_scoped3A : memref<!tpu.dma_semaphore, #tpu.memory_space<semaphore_mem>>) src(%arg10 : memref<64x128xf32, #tpu.memory_space<vmem>>) dst(%dma_wait3A_70 : memref<10240x128xf32, #tpu.memory_space<vmem_shared>>)
        tpu.yield
      }) : () -> ()
      %dma_wait3A_47 = arith.constant 64 : i32
      %dma_wait3A_48 = tpu.memref_slice %arg8[%while3A_31, %dma_wait3A_47] : memref<97x128xi32, #tpu.memory_space<vmem>> -> memref<1x64xi32, #tpu.memory_space<vmem>>
      %dma_wait3A_49 = tpu.memref_squeeze %dma_wait3A_48 : memref<1x64xi32, #tpu.memory_space<vmem>> -> memref<64xi32, #tpu.memory_space<vmem>>
      %dma_wait3A_50 = arith.constant 0 : i32
      %dma_wait3A_51 = arith.constant 0 : i32
      %dma_wait3A_52 = tpu.memref_slice %arg2[%dma_wait3A_50, %dma_wait3A_51] : memref<10000x128xf32, #tpu.memory_space<hbm>> -> memref<10000x128xf32, #tpu.memory_space<hbm>>
      tpu.wait_indirect_dma semaphore(%arg13 : memref<!tpu.dma_semaphore, #tpu.memory_space<semaphore_mem>>) src(%dma_wait3A_52 : memref<10000x128xf32, #tpu.memory_space<hbm>>) dst(%arg11 : memref<64x128xf32, #tpu.memory_space<vmem>>)
      %dma_start3A_53 = arith.constant 0 : i32
      %dma_start3A_54 = tpu.memref_slice %arg8[%min3A, %dma_start3A_53] : memref<97x128xi32, #tpu.memory_space<vmem>> -> memref<1x64xi32, #tpu.memory_space<vmem>>
      %dma_start3A_55 = tpu.memref_squeeze %dma_start3A_54 : memref<1x64xi32, #tpu.memory_space<vmem>> -> memref<64xi32, #tpu.memory_space<vmem>>
      %dma_start3A_56 = arith.constant 0 : i32
      %dma_start3A_57 = arith.constant 0 : i32
      %dma_start3A_58 = tpu.memref_slice %arg2[%dma_start3A_56, %dma_start3A_57] : memref<10000x128xf32, #tpu.memory_space<hbm>> -> memref<10000x128xf32, #tpu.memory_space<hbm>>
      tpu.enqueue_indirect_dma source(%dma_start3A_58 : memref<10000x128xf32, #tpu.memory_space<hbm>>) target(%arg10 : memref<64x128xf32, #tpu.memory_space<vmem>>) offsets(%dma_start3A_55 : memref<64xi32, #tpu.memory_space<vmem>>) semaphore(%arg12 : memref<!tpu.dma_semaphore, #tpu.memory_space<semaphore_mem>>)
      "tpu.region"() ({
        %run_scoped3A = tpu.sem_alloc : memref<!tpu.dma_semaphore, #tpu.memory_space<semaphore_mem>>
        %dma_start3A_59 = arith.constant 64 : i32
        %dma_start3A_60 = tpu.memref_slice %arg9[%while3A_31, %dma_start3A_59] : memref<97x128xi32, #tpu.memory_space<vmem>> -> memref<1x64xi32, #tpu.memory_space<vmem>>
        %dma_start3A_61 = tpu.memref_squeeze %dma_start3A_60 : memref<1x64xi32, #tpu.memory_space<vmem>> -> memref<64xi32, #tpu.memory_space<vmem>>
        %dma_start3A_62 = arith.constant 0 : i32
        %dma_start3A_63 = arith.constant 0 : i32
        %dma_start3A_64 = tpu.memref_slice %arg7[%dma_start3A_62, %dma_start3A_63] : memref<10240x128xf32, #tpu.memory_space<vmem_shared>> -> memref<10240x128xf32, #tpu.memory_space<vmem_shared>>
        tpu.enqueue_indirect_dma source(%arg11 : memref<64x128xf32, #tpu.memory_space<vmem>>) target(%dma_start3A_64 : memref<10240x128xf32, #tpu.memory_space<vmem_shared>>) offsets(%dma_start3A_61 : memref<64xi32, #tpu.memory_space<vmem>>) semaphore(%run_scoped3A : memref<!tpu.dma_semaphore, #tpu.memory_space<semaphore_mem>>) {add = true}
        %dma_wait3A_65 = arith.constant 64 : i32
        %dma_wait3A_66 = tpu.memref_slice %arg9[%while3A_31, %dma_wait3A_65] : memref<97x128xi32, #tpu.memory_space<vmem>> -> memref<1x64xi32, #tpu.memory_space<vmem>>
        %dma_wait3A_67 = tpu.memref_squeeze %dma_wait3A_66 : memref<1x64xi32, #tpu.memory_space<vmem>> -> memref<64xi32, #tpu.memory_space<vmem>>
        %dma_wait3A_68 = arith.constant 0 : i32
        %dma_wait3A_69 = arith.constant 0 : i32
        %dma_wait3A_70 = tpu.memref_slice %arg7[%dma_wait3A_68, %dma_wait3A_69] : memref<10240x128xf32, #tpu.memory_space<vmem_shared>> -> memref<10240x128xf32, #tpu.memory_space<vmem_shared>>
        tpu.wait_indirect_dma semaphore(%run_scoped3A : memref<!tpu.dma_semaphore, #tpu.memory_space<semaphore_mem>>) src(%arg11 : memref<64x128xf32, #tpu.memory_space<vmem>>) dst(%dma_wait3A_70 : memref<10240x128xf32, #tpu.memory_space<vmem_shared>>)
        tpu.yield
      }) : () -> ()
    }
    %dma_wait3A = arith.constant 0 : i32
    %dma_wait3A_20 = arith.constant 0 : i32
    %dma_wait3A_21 = tpu.memref_slice %arg8[%dma_wait3A, %dma_wait3A_20] : memref<97x128xi32, #tpu.memory_space<vmem>> -> memref<1x64xi32, #tpu.memory_space<vmem>>
    %dma_wait3A_22 = tpu.memref_squeeze %dma_wait3A_21 : memref<1x64xi32, #tpu.memory_space<vmem>> -> memref<64xi32, #tpu.memory_space<vmem>>
    %dma_wait3A_23 = arith.constant 0 : i32
    %dma_wait3A_24 = arith.constant 0 : i32
    %dma_wait3A_25 = tpu.memref_slice %arg2[%dma_wait3A_23, %dma_wait3A_24] : memref<10000x128xf32, #tpu.memory_space<hbm>> -> memref<10000x128xf32, #tpu.memory_space<hbm>>
    tpu.wait_indirect_dma semaphore(%arg12 : memref<!tpu.dma_semaphore, #tpu.memory_space<semaphore_mem>>) src(%dma_wait3A_25 : memref<10000x128xf32, #tpu.memory_space<hbm>>) dst(%arg10 : memref<64x128xf32, #tpu.memory_space<vmem>>)
    %barrier3A_26 = arith.constant 0 : index
    tpu.barrier barrier_id(%barrier3A_26)
    %mul3A_27 = arith.constant 640 : i32
    %mul3A_28 = arith.muli %arg1, %mul3A_27 : i32
    %mul3A_29 = arith.constant 640 : i32
    %mul3A_30 = arith.muli %arg1, %mul3A_29 : i32
    "tpu.region"() ({
      %run_scoped3A = tpu.sem_alloc : memref<!tpu.dma_semaphore, #tpu.memory_space<semaphore_mem>>
      %dma_start3A_31 = arith.constant 0 : i32
      %dma_start3A_32 = tpu.memref_slice %arg6[%arg0, %mul3A_30, %dma_start3A_31] : memref<2x10240x128xf32, #tpu.memory_space<hbm>> -> memref<1x640x128xf32, #tpu.memory_space<hbm>>
      %dma_start3A_33 = tpu.memref_squeeze %dma_start3A_32 : memref<1x640x128xf32, #tpu.memory_space<hbm>> -> memref<640x128xf32, #tpu.memory_space<hbm>>
      %dma_start3A_34 = arith.constant 0 : i32
      %dma_start3A_35 = tpu.memref_slice %arg7[%mul3A_28, %dma_start3A_34] : memref<10240x128xf32, #tpu.memory_space<vmem_shared>> -> memref<640x128xf32, #tpu.memory_space<vmem_shared>>
      tpu.enqueue_dma source(%dma_start3A_35 : memref<640x128xf32, #tpu.memory_space<vmem_shared>>) target(%dma_start3A_33 : memref<640x128xf32, #tpu.memory_space<hbm>>) target_semaphore(%run_scoped3A : memref<!tpu.dma_semaphore, #tpu.memory_space<semaphore_mem>>)
      %dma_wait3A_36 = arith.constant 0 : i32
      %dma_wait3A_37 = tpu.memref_slice %arg6[%arg0, %mul3A_30, %dma_wait3A_36] : memref<2x10240x128xf32, #tpu.memory_space<hbm>> -> memref<1x640x128xf32, #tpu.memory_space<hbm>>
      %dma_wait3A_38 = tpu.memref_squeeze %dma_wait3A_37 : memref<1x640x128xf32, #tpu.memory_space<hbm>> -> memref<640x128xf32, #tpu.memory_space<hbm>>
      %dma_wait3A_39 = arith.constant 0 : i32
      %dma_wait3A_40 = tpu.memref_slice %arg7[%mul3A_28, %dma_wait3A_39] : memref<10240x128xf32, #tpu.memory_space<vmem_shared>> -> memref<640x128xf32, #tpu.memory_space<vmem_shared>>
      tpu.wait_dma2 semaphore(%run_scoped3A : memref<!tpu.dma_semaphore, #tpu.memory_space<semaphore_mem>>) src(%dma_wait3A_40 : memref<640x128xf32, #tpu.memory_space<vmem_shared>>) dst(%dma_wait3A_38 : memref<640x128xf32, #tpu.memory_space<hbm>>)
      tpu.yield
    }) : () -> ()
    return
  }
}

#map = affine_map<(d0, d1) -> (0, 0)>
#map1 = affine_map<(d0, d1) -> (0, 0, 0)>
module attributes {stable_mosaic.version = 14 : i64} {
  func.func @scat_kernel(%arg0: i32, %arg1: i32, %arg2: memref<10000x128xf32, #tpu.memory_space<hbm>>, %arg3: memref<32x97x128xi32, #tpu.memory_space<hbm>>, %arg4: memref<32x97x128xi32, #tpu.memory_space<hbm>>, %arg5: memref<640x128xf32, #tpu.memory_space<hbm>>, %arg6: memref<2x10240x128xf32, #tpu.memory_space<hbm>>, %arg7: memref<10240x128xf32, #tpu.memory_space<vmem_shared>>, %arg8: memref<97x128xi32, #tpu.memory_space<vmem>>, %arg9: memref<97x128xi32, #tpu.memory_space<vmem>>, %arg10: memref<64x128xf32, #tpu.memory_space<vmem>>, %arg11: memref<64x128xf32, #tpu.memory_space<vmem>>, %arg12: memref<!tpu.dma_semaphore, #tpu.memory_space<semaphore_mem>>, %arg13: memref<!tpu.dma_semaphore, #tpu.memory_space<semaphore_mem>>) attributes {dimension_semantics = [#tpu.dimension_semantics<core_parallel>, #tpu.dimension_semantics<subcore_parallel>], iteration_bounds = array<i64: 2, 16>, scalar_prefetch = 0 : i64, scratch_operands = 7 : i64, tpu.core_type = #tpu.core_type<sc_vector_subcore>, window_params = [{transform_indices = #map}, {transform_indices = #map1}, {transform_indices = #map1}, {transform_indices = #map}, {transform_indices = #map1}]} {
    %mul3A = arith.constant 16 : i32
    %mul3A_0 = arith.muli %arg0, %mul3A : i32
    %add3A = arith.addi %mul3A_0, %arg1 : i32
    %eq3A = arith.constant 0 : i32
    %eq3A_1 = arith.cmpi eq, %arg0, %eq3A : i32
    %jit3A = arith.constant 97 : i32
    %jit3A_2 = arith.constant 60 : i32
    %select_n3A = arith.select %eq3A_1, %jit3A, %jit3A_2 : i32
    "tpu.region"() ({
      %run_scoped3A = tpu.sem_alloc : memref<!tpu.dma_semaphore, #tpu.memory_space<semaphore_mem>>
      %dma_start3A_31 = arith.constant 0 : i32
      %dma_start3A_32 = arith.constant 0 : i32
      %dma_start3A_33 = tpu.memref_slice %arg3[%add3A, %dma_start3A_31, %dma_start3A_32] : memref<32x97x128xi32, #tpu.memory_space<hbm>> -> memref<1x97x128xi32, #tpu.memory_space<hbm>>
      %dma_start3A_34 = tpu.memref_squeeze %dma_start3A_33 : memref<1x97x128xi32, #tpu.memory_space<hbm>> -> memref<97x128xi32, #tpu.memory_space<hbm>>
      %dma_start3A_35 = arith.constant 0 : i32
      %dma_start3A_36 = arith.constant 0 : i32
      %dma_start3A_37 = tpu.memref_slice %arg3[%add3A, %dma_start3A_35, %dma_start3A_36] : memref<32x97x128xi32, #tpu.memory_space<hbm>> -> memref<1x97x128xi32, #tpu.memory_space<hbm>>
      %dma_start3A_38 = tpu.memref_squeeze %dma_start3A_37 : memref<1x97x128xi32, #tpu.memory_space<hbm>> -> memref<97x128xi32, #tpu.memory_space<hbm>>
      tpu.enqueue_dma source(%dma_start3A_38 : memref<97x128xi32, #tpu.memory_space<hbm>>) target(%arg8 : memref<97x128xi32, #tpu.memory_space<vmem>>) target_semaphore(%run_scoped3A : memref<!tpu.dma_semaphore, #tpu.memory_space<semaphore_mem>>)
      %dma_wait3A_39 = arith.constant 0 : i32
      %dma_wait3A_40 = arith.constant 0 : i32
      %dma_wait3A_41 = tpu.memref_slice %arg3[%add3A, %dma_wait3A_39, %dma_wait3A_40] : memref<32x97x128xi32, #tpu.memory_space<hbm>> -> memref<1x97x128xi32, #tpu.memory_space<hbm>>
      %dma_wait3A_42 = tpu.memref_squeeze %dma_wait3A_41 : memref<1x97x128xi32, #tpu.memory_space<hbm>> -> memref<97x128xi32, #tpu.memory_space<hbm>>
      %dma_wait3A_43 = arith.constant 0 : i32
      %dma_wait3A_44 = arith.constant 0 : i32
      %dma_wait3A_45 = tpu.memref_slice %arg3[%add3A, %dma_wait3A_43, %dma_wait3A_44] : memref<32x97x128xi32, #tpu.memory_space<hbm>> -> memref<1x97x128xi32, #tpu.memory_space<hbm>>
      %dma_wait3A_46 = tpu.memref_squeeze %dma_wait3A_45 : memref<1x97x128xi32, #tpu.memory_space<hbm>> -> memref<97x128xi32, #tpu.memory_space<hbm>>
      tpu.wait_dma2 semaphore(%run_scoped3A : memref<!tpu.dma_semaphore, #tpu.memory_space<semaphore_mem>>) src(%dma_wait3A_46 : memref<97x128xi32, #tpu.memory_space<hbm>>) dst(%arg8 : memref<97x128xi32, #tpu.memory_space<vmem>>)
      tpu.yield
    }) : () -> ()
    "tpu.region"() ({
      %run_scoped3A = tpu.sem_alloc : memref<!tpu.dma_semaphore, #tpu.memory_space<semaphore_mem>>
      %dma_start3A_31 = arith.constant 0 : i32
      %dma_start3A_32 = arith.constant 0 : i32
      %dma_start3A_33 = tpu.memref_slice %arg4[%add3A, %dma_start3A_31, %dma_start3A_32] : memref<32x97x128xi32, #tpu.memory_space<hbm>> -> memref<1x97x128xi32, #tpu.memory_space<hbm>>
      %dma_start3A_34 = tpu.memref_squeeze %dma_start3A_33 : memref<1x97x128xi32, #tpu.memory_space<hbm>> -> memref<97x128xi32, #tpu.memory_space<hbm>>
      %dma_start3A_35 = arith.constant 0 : i32
      %dma_start3A_36 = arith.constant 0 : i32
      %dma_start3A_37 = tpu.memref_slice %arg4[%add3A, %dma_start3A_35, %dma_start3A_36] : memref<32x97x128xi32, #tpu.memory_space<hbm>> -> memref<1x97x128xi32, #tpu.memory_space<hbm>>
      %dma_start3A_38 = tpu.memref_squeeze %dma_start3A_37 : memref<1x97x128xi32, #tpu.memory_space<hbm>> -> memref<97x128xi32, #tpu.memory_space<hbm>>
      tpu.enqueue_dma source(%dma_start3A_38 : memref<97x128xi32, #tpu.memory_space<hbm>>) target(%arg9 : memref<97x128xi32, #tpu.memory_space<vmem>>) target_semaphore(%run_scoped3A : memref<!tpu.dma_semaphore, #tpu.memory_space<semaphore_mem>>)
      %dma_wait3A_39 = arith.constant 0 : i32
      %dma_wait3A_40 = arith.constant 0 : i32
      %dma_wait3A_41 = tpu.memref_slice %arg4[%add3A, %dma_wait3A_39, %dma_wait3A_40] : memref<32x97x128xi32, #tpu.memory_space<hbm>> -> memref<1x97x128xi32, #tpu.memory_space<hbm>>
      %dma_wait3A_42 = tpu.memref_squeeze %dma_wait3A_41 : memref<1x97x128xi32, #tpu.memory_space<hbm>> -> memref<97x128xi32, #tpu.memory_space<hbm>>
      %dma_wait3A_43 = arith.constant 0 : i32
      %dma_wait3A_44 = arith.constant 0 : i32
      %dma_wait3A_45 = tpu.memref_slice %arg4[%add3A, %dma_wait3A_43, %dma_wait3A_44] : memref<32x97x128xi32, #tpu.memory_space<hbm>> -> memref<1x97x128xi32, #tpu.memory_space<hbm>>
      %dma_wait3A_46 = tpu.memref_squeeze %dma_wait3A_45 : memref<1x97x128xi32, #tpu.memory_space<hbm>> -> memref<97x128xi32, #tpu.memory_space<hbm>>
      tpu.wait_dma2 semaphore(%run_scoped3A : memref<!tpu.dma_semaphore, #tpu.memory_space<semaphore_mem>>) src(%dma_wait3A_46 : memref<97x128xi32, #tpu.memory_space<hbm>>) dst(%arg9 : memref<97x128xi32, #tpu.memory_space<vmem>>)
      tpu.yield
    }) : () -> ()
    %mul3A_3 = arith.constant 640 : i32
    %mul3A_4 = arith.muli %arg1, %mul3A_3 : i32
    "tpu.region"() ({
      %run_scoped3A = tpu.sem_alloc : memref<!tpu.dma_semaphore, #tpu.memory_space<semaphore_mem>>
      %dma_start3A_31 = arith.constant 0 : i32
      %dma_start3A_32 = tpu.memref_slice %arg7[%mul3A_4, %dma_start3A_31] : memref<10240x128xf32, #tpu.memory_space<vmem_shared>> -> memref<640x128xf32, #tpu.memory_space<vmem_shared>>
      tpu.enqueue_dma source(%arg5 : memref<640x128xf32, #tpu.memory_space<hbm>>) target(%dma_start3A_32 : memref<640x128xf32, #tpu.memory_space<vmem_shared>>) target_semaphore(%run_scoped3A : memref<!tpu.dma_semaphore, #tpu.memory_space<semaphore_mem>>)
      %dma_wait3A_33 = arith.constant 0 : i32
      %dma_wait3A_34 = tpu.memref_slice %arg7[%mul3A_4, %dma_wait3A_33] : memref<10240x128xf32, #tpu.memory_space<vmem_shared>> -> memref<640x128xf32, #tpu.memory_space<vmem_shared>>
      tpu.wait_dma2 semaphore(%run_scoped3A : memref<!tpu.dma_semaphore, #tpu.memory_space<semaphore_mem>>) src(%arg5 : memref<640x128xf32, #tpu.memory_space<hbm>>) dst(%dma_wait3A_34 : memref<640x128xf32, #tpu.memory_space<vmem_shared>>)
      tpu.yield
    }) : () -> ()
    %barrier3A = arith.constant 0 : index
    tpu.barrier barrier_id(%barrier3A)
    %dma_start3A = arith.constant 0 : i32
    %dma_start3A_5 = arith.constant 0 : i32
    %dma_start3A_6 = tpu.memref_slice %arg8[%dma_start3A, %dma_start3A_5] : memref<97x128xi32, #tpu.memory_space<vmem>> -> memref<1x64xi32, #tpu.memory_space<vmem>>
    %dma_start3A_7 = tpu.memref_squeeze %dma_start3A_6 : memref<1x64xi32, #tpu.memory_space<vmem>> -> memref<64xi32, #tpu.memory_space<vmem>>
    %dma_start3A_8 = arith.constant 0 : i32
    %dma_start3A_9 = arith.constant 0 : i32
    %dma_start3A_10 = tpu.memref_slice %arg2[%dma_start3A_8, %dma_start3A_9] : memref<10000x128xf32, #tpu.memory_space<hbm>> -> memref<10000x128xf32, #tpu.memory_space<hbm>>
    tpu.enqueue_indirect_dma source(%dma_start3A_10 : memref<10000x128xf32, #tpu.memory_space<hbm>>) target(%arg10 : memref<64x128xf32, #tpu.memory_space<vmem>>) offsets(%dma_start3A_7 : memref<64xi32, #tpu.memory_space<vmem>>) semaphore(%arg12 : memref<!tpu.dma_semaphore, #tpu.memory_space<semaphore_mem>>)
    %while3A = arith.constant 0 : i32
    %while3A_11 = arith.constant 0 : i32
    %while3A_12 = arith.subi %select_n3A, %while3A_11 : i32
    %while3A_13 = arith.addi %while3A_11, %while3A_12 : i32
    %while3A_14 = arith.constant 1 : i32
    %while3A_15 = arith.divsi %while3A_12, %while3A_14 : i32
    %while3A_16 = arith.muli %while3A_15, %while3A_14 : i32
    %while3A_17 = arith.addi %while3A_11, %while3A_16 : i32
    %while3A_18 = arith.constant 1 : i32
    scf.for %while3A_31 = %while3A_11 to %while3A_17 step %while3A_18  : i32 {
      %add3A_32 = arith.constant 1 : i32
      %add3A_33 = arith.addi %while3A_31, %add3A_32 : i32
      %sub3A = arith.constant 1 : i32
      %sub3A_34 = arith.subi %select_n3A, %sub3A : i32
      %min3A = arith.minsi %add3A_33, %sub3A_34 : i32
      %dma_wait3A_35 = arith.constant 0 : i32
      %dma_wait3A_36 = tpu.memref_slice %arg8[%while3A_31, %dma_wait3A_35] : memref<97x128xi32, #tpu.memory_space<vmem>> -> memref<1x64xi32, #tpu.memory_space<vmem>>
      %dma_wait3A_37 = tpu.memref_squeeze %dma_wait3A_36 : memref<1x64xi32, #tpu.memory_space<vmem>> -> memref<64xi32, #tpu.memory_space<vmem>>
      %dma_wait3A_38 = arith.constant 0 : i32
      %dma_wait3A_39 = arith.constant 0 : i32
      %dma_wait3A_40 = tpu.memref_slice %arg2[%dma_wait3A_38, %dma_wait3A_39] : memref<10000x128xf32, #tpu.memory_space<hbm>> -> memref<10000x128xf32, #tpu.memory_space<hbm>>
      tpu.wait_indirect_dma semaphore(%arg12 : memref<!tpu.dma_semaphore, #tpu.memory_space<semaphore_mem>>) src(%dma_wait3A_40 : memref<10000x128xf32, #tpu.memory_space<hbm>>) dst(%arg10 : memref<64x128xf32, #tpu.memory_space<vmem>>)
      %dma_start3A_41 = arith.constant 64 : i32
      %dma_start3A_42 = tpu.memref_slice %arg8[%while3A_31, %dma_start3A_41] : memref<97x128xi32, #tpu.memory_space<vmem>> -> memref<1x64xi32, #tpu.memory_space<vmem>>
      %dma_start3A_43 = tpu.memref_squeeze %dma_start3A_42 : memref<1x64xi32, #tpu.memory_space<vmem>> -> memref<64xi32, #tpu.memory_space<vmem>>
      %dma_start3A_44 = arith.constant 0 : i32
      %dma_start3A_45 = arith.constant 0 : i32
      %dma_start3A_46 = tpu.memref_slice %arg2[%dma_start3A_44, %dma_start3A_45] : memref<10000x128xf32, #tpu.memory_space<hbm>> -> memref<10000x128xf32, #tpu.memory_space<hbm>>
      tpu.enqueue_indirect_dma source(%dma_start3A_46 : memref<10000x128xf32, #tpu.memory_space<hbm>>) target(%arg11 : memref<64x128xf32, #tpu.memory_space<vmem>>) offsets(%dma_start3A_43 : memref<64xi32, #tpu.memory_space<vmem>>) semaphore(%arg13 : memref<!tpu.dma_semaphore, #tpu.memory_space<semaphore_mem>>)
      "tpu.region"() ({
        %run_scoped3A = tpu.sem_alloc : memref<!tpu.dma_semaphore, #tpu.memory_space<semaphore_mem>>
        %dma_start3A_59 = arith.constant 0 : i32
        %dma_start3A_60 = tpu.memref_slice %arg9[%while3A_31, %dma_start3A_59] : memref<97x128xi32, #tpu.memory_space<vmem>> -> memref<1x64xi32, #tpu.memory_space<vmem>>
        %dma_start3A_61 = tpu.memref_squeeze %dma_start3A_60 : memref<1x64xi32, #tpu.memory_space<vmem>> -> memref<64xi32, #tpu.memory_space<vmem>>
        %dma_start3A_62 = arith.constant 0 : i32
        %dma_start3A_63 = arith.constant 0 : i32
        %dma_start3A_64 = tpu.memref_slice %arg7[%dma_start3A_62, %dma_start3A_63] : memref<10240x128xf32, #tpu.memory_space<vmem_shared>> -> memref<10240x128xf32, #tpu.memory_space<vmem_shared>>
        tpu.enqueue_indirect_dma source(%arg10 : memref<64x128xf32, #tpu.memory_space<vmem>>) target(%dma_start3A_64 : memref<10240x128xf32, #tpu.memory_space<vmem_shared>>) offsets(%dma_start3A_61 : memref<64xi32, #tpu.memory_space<vmem>>) semaphore(%run_scoped3A : memref<!tpu.dma_semaphore, #tpu.memory_space<semaphore_mem>>) {add = true}
        %dma_wait3A_65 = arith.constant 0 : i32
        %dma_wait3A_66 = tpu.memref_slice %arg9[%while3A_31, %dma_wait3A_65] : memref<97x128xi32, #tpu.memory_space<vmem>> -> memref<1x64xi32, #tpu.memory_space<vmem>>
        %dma_wait3A_67 = tpu.memref_squeeze %dma_wait3A_66 : memref<1x64xi32, #tpu.memory_space<vmem>> -> memref<64xi32, #tpu.memory_space<vmem>>
        %dma_wait3A_68 = arith.constant 0 : i32
        %dma_wait3A_69 = arith.constant 0 : i32
        %dma_wait3A_70 = tpu.memref_slice %arg7[%dma_wait3A_68, %dma_wait3A_69] : memref<10240x128xf32, #tpu.memory_space<vmem_shared>> -> memref<10240x128xf32, #tpu.memory_space<vmem_shared>>
        tpu.wait_indirect_dma semaphore(%run_scoped3A : memref<!tpu.dma_semaphore, #tpu.memory_space<semaphore_mem>>) src(%arg10 : memref<64x128xf32, #tpu.memory_space<vmem>>) dst(%dma_wait3A_70 : memref<10240x128xf32, #tpu.memory_space<vmem_shared>>)
        tpu.yield
      }) : () -> ()
      %dma_wait3A_47 = arith.constant 64 : i32
      %dma_wait3A_48 = tpu.memref_slice %arg8[%while3A_31, %dma_wait3A_47] : memref<97x128xi32, #tpu.memory_space<vmem>> -> memref<1x64xi32, #tpu.memory_space<vmem>>
      %dma_wait3A_49 = tpu.memref_squeeze %dma_wait3A_48 : memref<1x64xi32, #tpu.memory_space<vmem>> -> memref<64xi32, #tpu.memory_space<vmem>>
      %dma_wait3A_50 = arith.constant 0 : i32
      %dma_wait3A_51 = arith.constant 0 : i32
      %dma_wait3A_52 = tpu.memref_slice %arg2[%dma_wait3A_50, %dma_wait3A_51] : memref<10000x128xf32, #tpu.memory_space<hbm>> -> memref<10000x128xf32, #tpu.memory_space<hbm>>
      tpu.wait_indirect_dma semaphore(%arg13 : memref<!tpu.dma_semaphore, #tpu.memory_space<semaphore_mem>>) src(%dma_wait3A_52 : memref<10000x128xf32, #tpu.memory_space<hbm>>) dst(%arg11 : memref<64x128xf32, #tpu.memory_space<vmem>>)
      %dma_start3A_53 = arith.constant 0 : i32
      %dma_start3A_54 = tpu.memref_slice %arg8[%min3A, %dma_start3A_53] : memref<97x128xi32, #tpu.memory_space<vmem>> -> memref<1x64xi32, #tpu.memory_space<vmem>>
      %dma_start3A_55 = tpu.memref_squeeze %dma_start3A_54 : memref<1x64xi32, #tpu.memory_space<vmem>> -> memref<64xi32, #tpu.memory_space<vmem>>
      %dma_start3A_56 = arith.constant 0 : i32
      %dma_start3A_57 = arith.constant 0 : i32
      %dma_start3A_58 = tpu.memref_slice %arg2[%dma_start3A_56, %dma_start3A_57] : memref<10000x128xf32, #tpu.memory_space<hbm>> -> memref<10000x128xf32, #tpu.memory_space<hbm>>
      tpu.enqueue_indirect_dma source(%dma_start3A_58 : memref<10000x128xf32, #tpu.memory_space<hbm>>) target(%arg10 : memref<64x128xf32, #tpu.memory_space<vmem>>) offsets(%dma_start3A_55 : memref<64xi32, #tpu.memory_space<vmem>>) semaphore(%arg12 : memref<!tpu.dma_semaphore, #tpu.memory_space<semaphore_mem>>)
      "tpu.region"() ({
        %run_scoped3A = tpu.sem_alloc : memref<!tpu.dma_semaphore, #tpu.memory_space<semaphore_mem>>
        %dma_start3A_59 = arith.constant 64 : i32
        %dma_start3A_60 = tpu.memref_slice %arg9[%while3A_31, %dma_start3A_59] : memref<97x128xi32, #tpu.memory_space<vmem>> -> memref<1x64xi32, #tpu.memory_space<vmem>>
        %dma_start3A_61 = tpu.memref_squeeze %dma_start3A_60 : memref<1x64xi32, #tpu.memory_space<vmem>> -> memref<64xi32, #tpu.memory_space<vmem>>
        %dma_start3A_62 = arith.constant 0 : i32
        %dma_start3A_63 = arith.constant 0 : i32
        %dma_start3A_64 = tpu.memref_slice %arg7[%dma_start3A_62, %dma_start3A_63] : memref<10240x128xf32, #tpu.memory_space<vmem_shared>> -> memref<10240x128xf32, #tpu.memory_space<vmem_shared>>
        tpu.enqueue_indirect_dma source(%arg11 : memref<64x128xf32, #tpu.memory_space<vmem>>) target(%dma_start3A_64 : memref<10240x128xf32, #tpu.memory_space<vmem_shared>>) offsets(%dma_start3A_61 : memref<64xi32, #tpu.memory_space<vmem>>) semaphore(%run_scoped3A : memref<!tpu.dma_semaphore, #tpu.memory_space<semaphore_mem>>) {add = true}
        %dma_wait3A_65 = arith.constant 64 : i32
        %dma_wait3A_66 = tpu.memref_slice %arg9[%while3A_31, %dma_wait3A_65] : memref<97x128xi32, #tpu.memory_space<vmem>> -> memref<1x64xi32, #tpu.memory_space<vmem>>
        %dma_wait3A_67 = tpu.memref_squeeze %dma_wait3A_66 : memref<1x64xi32, #tpu.memory_space<vmem>> -> memref<64xi32, #tpu.memory_space<vmem>>
        %dma_wait3A_68 = arith.constant 0 : i32
        %dma_wait3A_69 = arith.constant 0 : i32
        %dma_wait3A_70 = tpu.memref_slice %arg7[%dma_wait3A_68, %dma_wait3A_69] : memref<10240x128xf32, #tpu.memory_space<vmem_shared>> -> memref<10240x128xf32, #tpu.memory_space<vmem_shared>>
        tpu.wait_indirect_dma semaphore(%run_scoped3A : memref<!tpu.dma_semaphore, #tpu.memory_space<semaphore_mem>>) src(%arg11 : memref<64x128xf32, #tpu.memory_space<vmem>>) dst(%dma_wait3A_70 : memref<10240x128xf32, #tpu.memory_space<vmem_shared>>)
        tpu.yield
      }) : () -> ()
    }
    %while3A_19 = arith.constant 1 : i32
    scf.for %while3A_31 = %while3A_17 to %while3A_13 step %while3A_19  : i32 {
      %add3A_32 = arith.constant 1 : i32
      %add3A_33 = arith.addi %while3A_31, %add3A_32 : i32
      %sub3A = arith.constant 1 : i32
      %sub3A_34 = arith.subi %select_n3A, %sub3A : i32
      %min3A = arith.minsi %add3A_33, %sub3A_34 : i32
      %dma_wait3A_35 = arith.constant 0 : i32
      %dma_wait3A_36 = tpu.memref_slice %arg8[%while3A_31, %dma_wait3A_35] : memref<97x128xi32, #tpu.memory_space<vmem>> -> memref<1x64xi32, #tpu.memory_space<vmem>>
      %dma_wait3A_37 = tpu.memref_squeeze %dma_wait3A_36 : memref<1x64xi32, #tpu.memory_space<vmem>> -> memref<64xi32, #tpu.memory_space<vmem>>
      %dma_wait3A_38 = arith.constant 0 : i32
      %dma_wait3A_39 = arith.constant 0 : i32
      %dma_wait3A_40 = tpu.memref_slice %arg2[%dma_wait3A_38, %dma_wait3A_39] : memref<10000x128xf32, #tpu.memory_space<hbm>> -> memref<10000x128xf32, #tpu.memory_space<hbm>>
      tpu.wait_indirect_dma semaphore(%arg12 : memref<!tpu.dma_semaphore, #tpu.memory_space<semaphore_mem>>) src(%dma_wait3A_40 : memref<10000x128xf32, #tpu.memory_space<hbm>>) dst(%arg10 : memref<64x128xf32, #tpu.memory_space<vmem>>)
      %dma_start3A_41 = arith.constant 64 : i32
      %dma_start3A_42 = tpu.memref_slice %arg8[%while3A_31, %dma_start3A_41] : memref<97x128xi32, #tpu.memory_space<vmem>> -> memref<1x64xi32, #tpu.memory_space<vmem>>
      %dma_start3A_43 = tpu.memref_squeeze %dma_start3A_42 : memref<1x64xi32, #tpu.memory_space<vmem>> -> memref<64xi32, #tpu.memory_space<vmem>>
      %dma_start3A_44 = arith.constant 0 : i32
      %dma_start3A_45 = arith.constant 0 : i32
      %dma_start3A_46 = tpu.memref_slice %arg2[%dma_start3A_44, %dma_start3A_45] : memref<10000x128xf32, #tpu.memory_space<hbm>> -> memref<10000x128xf32, #tpu.memory_space<hbm>>
      tpu.enqueue_indirect_dma source(%dma_start3A_46 : memref<10000x128xf32, #tpu.memory_space<hbm>>) target(%arg11 : memref<64x128xf32, #tpu.memory_space<vmem>>) offsets(%dma_start3A_43 : memref<64xi32, #tpu.memory_space<vmem>>) semaphore(%arg13 : memref<!tpu.dma_semaphore, #tpu.memory_space<semaphore_mem>>)
      "tpu.region"() ({
        %run_scoped3A = tpu.sem_alloc : memref<!tpu.dma_semaphore, #tpu.memory_space<semaphore_mem>>
        %dma_start3A_59 = arith.constant 0 : i32
        %dma_start3A_60 = tpu.memref_slice %arg9[%while3A_31, %dma_start3A_59] : memref<97x128xi32, #tpu.memory_space<vmem>> -> memref<1x64xi32, #tpu.memory_space<vmem>>
        %dma_start3A_61 = tpu.memref_squeeze %dma_start3A_60 : memref<1x64xi32, #tpu.memory_space<vmem>> -> memref<64xi32, #tpu.memory_space<vmem>>
        %dma_start3A_62 = arith.constant 0 : i32
        %dma_start3A_63 = arith.constant 0 : i32
        %dma_start3A_64 = tpu.memref_slice %arg7[%dma_start3A_62, %dma_start3A_63] : memref<10240x128xf32, #tpu.memory_space<vmem_shared>> -> memref<10240x128xf32, #tpu.memory_space<vmem_shared>>
        tpu.enqueue_indirect_dma source(%arg10 : memref<64x128xf32, #tpu.memory_space<vmem>>) target(%dma_start3A_64 : memref<10240x128xf32, #tpu.memory_space<vmem_shared>>) offsets(%dma_start3A_61 : memref<64xi32, #tpu.memory_space<vmem>>) semaphore(%run_scoped3A : memref<!tpu.dma_semaphore, #tpu.memory_space<semaphore_mem>>) {add = true}
        %dma_wait3A_65 = arith.constant 0 : i32
        %dma_wait3A_66 = tpu.memref_slice %arg9[%while3A_31, %dma_wait3A_65] : memref<97x128xi32, #tpu.memory_space<vmem>> -> memref<1x64xi32, #tpu.memory_space<vmem>>
        %dma_wait3A_67 = tpu.memref_squeeze %dma_wait3A_66 : memref<1x64xi32, #tpu.memory_space<vmem>> -> memref<64xi32, #tpu.memory_space<vmem>>
        %dma_wait3A_68 = arith.constant 0 : i32
        %dma_wait3A_69 = arith.constant 0 : i32
        %dma_wait3A_70 = tpu.memref_slice %arg7[%dma_wait3A_68, %dma_wait3A_69] : memref<10240x128xf32, #tpu.memory_space<vmem_shared>> -> memref<10240x128xf32, #tpu.memory_space<vmem_shared>>
        tpu.wait_indirect_dma semaphore(%run_scoped3A : memref<!tpu.dma_semaphore, #tpu.memory_space<semaphore_mem>>) src(%arg10 : memref<64x128xf32, #tpu.memory_space<vmem>>) dst(%dma_wait3A_70 : memref<10240x128xf32, #tpu.memory_space<vmem_shared>>)
        tpu.yield
      }) : () -> ()
      %dma_wait3A_47 = arith.constant 64 : i32
      %dma_wait3A_48 = tpu.memref_slice %arg8[%while3A_31, %dma_wait3A_47] : memref<97x128xi32, #tpu.memory_space<vmem>> -> memref<1x64xi32, #tpu.memory_space<vmem>>
      %dma_wait3A_49 = tpu.memref_squeeze %dma_wait3A_48 : memref<1x64xi32, #tpu.memory_space<vmem>> -> memref<64xi32, #tpu.memory_space<vmem>>
      %dma_wait3A_50 = arith.constant 0 : i32
      %dma_wait3A_51 = arith.constant 0 : i32
      %dma_wait3A_52 = tpu.memref_slice %arg2[%dma_wait3A_50, %dma_wait3A_51] : memref<10000x128xf32, #tpu.memory_space<hbm>> -> memref<10000x128xf32, #tpu.memory_space<hbm>>
      tpu.wait_indirect_dma semaphore(%arg13 : memref<!tpu.dma_semaphore, #tpu.memory_space<semaphore_mem>>) src(%dma_wait3A_52 : memref<10000x128xf32, #tpu.memory_space<hbm>>) dst(%arg11 : memref<64x128xf32, #tpu.memory_space<vmem>>)
      %dma_start3A_53 = arith.constant 0 : i32
      %dma_start3A_54 = tpu.memref_slice %arg8[%min3A, %dma_start3A_53] : memref<97x128xi32, #tpu.memory_space<vmem>> -> memref<1x64xi32, #tpu.memory_space<vmem>>
      %dma_start3A_55 = tpu.memref_squeeze %dma_start3A_54 : memref<1x64xi32, #tpu.memory_space<vmem>> -> memref<64xi32, #tpu.memory_space<vmem>>
      %dma_start3A_56 = arith.constant 0 : i32
      %dma_start3A_57 = arith.constant 0 : i32
      %dma_start3A_58 = tpu.memref_slice %arg2[%dma_start3A_56, %dma_start3A_57] : memref<10000x128xf32, #tpu.memory_space<hbm>> -> memref<10000x128xf32, #tpu.memory_space<hbm>>
      tpu.enqueue_indirect_dma source(%dma_start3A_58 : memref<10000x128xf32, #tpu.memory_space<hbm>>) target(%arg10 : memref<64x128xf32, #tpu.memory_space<vmem>>) offsets(%dma_start3A_55 : memref<64xi32, #tpu.memory_space<vmem>>) semaphore(%arg12 : memref<!tpu.dma_semaphore, #tpu.memory_space<semaphore_mem>>)
      "tpu.region"() ({
        %run_scoped3A = tpu.sem_alloc : memref<!tpu.dma_semaphore, #tpu.memory_space<semaphore_mem>>
        %dma_start3A_59 = arith.constant 64 : i32
        %dma_start3A_60 = tpu.memref_slice %arg9[%while3A_31, %dma_start3A_59] : memref<97x128xi32, #tpu.memory_space<vmem>> -> memref<1x64xi32, #tpu.memory_space<vmem>>
        %dma_start3A_61 = tpu.memref_squeeze %dma_start3A_60 : memref<1x64xi32, #tpu.memory_space<vmem>> -> memref<64xi32, #tpu.memory_space<vmem>>
        %dma_start3A_62 = arith.constant 0 : i32
        %dma_start3A_63 = arith.constant 0 : i32
        %dma_start3A_64 = tpu.memref_slice %arg7[%dma_start3A_62, %dma_start3A_63] : memref<10240x128xf32, #tpu.memory_space<vmem_shared>> -> memref<10240x128xf32, #tpu.memory_space<vmem_shared>>
        tpu.enqueue_indirect_dma source(%arg11 : memref<64x128xf32, #tpu.memory_space<vmem>>) target(%dma_start3A_64 : memref<10240x128xf32, #tpu.memory_space<vmem_shared>>) offsets(%dma_start3A_61 : memref<64xi32, #tpu.memory_space<vmem>>) semaphore(%run_scoped3A : memref<!tpu.dma_semaphore, #tpu.memory_space<semaphore_mem>>) {add = true}
        %dma_wait3A_65 = arith.constant 64 : i32
        %dma_wait3A_66 = tpu.memref_slice %arg9[%while3A_31, %dma_wait3A_65] : memref<97x128xi32, #tpu.memory_space<vmem>> -> memref<1x64xi32, #tpu.memory_space<vmem>>
        %dma_wait3A_67 = tpu.memref_squeeze %dma_wait3A_66 : memref<1x64xi32, #tpu.memory_space<vmem>> -> memref<64xi32, #tpu.memory_space<vmem>>
        %dma_wait3A_68 = arith.constant 0 : i32
        %dma_wait3A_69 = arith.constant 0 : i32
        %dma_wait3A_70 = tpu.memref_slice %arg7[%dma_wait3A_68, %dma_wait3A_69] : memref<10240x128xf32, #tpu.memory_space<vmem_shared>> -> memref<10240x128xf32, #tpu.memory_space<vmem_shared>>
        tpu.wait_indirect_dma semaphore(%run_scoped3A : memref<!tpu.dma_semaphore, #tpu.memory_space<semaphore_mem>>) src(%arg11 : memref<64x128xf32, #tpu.memory_space<vmem>>) dst(%dma_wait3A_70 : memref<10240x128xf32, #tpu.memory_space<vmem_shared>>)
        tpu.yield
      }) : () -> ()
    }
    %dma_wait3A = arith.constant 0 : i32
    %dma_wait3A_20 = arith.constant 0 : i32
    %dma_wait3A_21 = tpu.memref_slice %arg8[%dma_wait3A, %dma_wait3A_20] : memref<97x128xi32, #tpu.memory_space<vmem>> -> memref<1x64xi32, #tpu.memory_space<vmem>>
    %dma_wait3A_22 = tpu.memref_squeeze %dma_wait3A_21 : memref<1x64xi32, #tpu.memory_space<vmem>> -> memref<64xi32, #tpu.memory_space<vmem>>
    %dma_wait3A_23 = arith.constant 0 : i32
    %dma_wait3A_24 = arith.constant 0 : i32
    %dma_wait3A_25 = tpu.memref_slice %arg2[%dma_wait3A_23, %dma_wait3A_24] : memref<10000x128xf32, #tpu.memory_space<hbm>> -> memref<10000x128xf32, #tpu.memory_space<hbm>>
    tpu.wait_indirect_dma semaphore(%arg12 : memref<!tpu.dma_semaphore, #tpu.memory_space<semaphore_mem>>) src(%dma_wait3A_25 : memref<10000x128xf32, #tpu.memory_space<hbm>>) dst(%arg10 : memref<64x128xf32, #tpu.memory_space<vmem>>)
    %barrier3A_26 = arith.constant 0 : index
    tpu.barrier barrier_id(%barrier3A_26)
    %mul3A_27 = arith.constant 640 : i32
    %mul3A_28 = arith.muli %arg1, %mul3A_27 : i32
    %mul3A_29 = arith.constant 640 : i32
    %mul3A_30 = arith.muli %arg1, %mul3A_29 : i32
    "tpu.region"() ({
      %run_scoped3A = tpu.sem_alloc : memref<!tpu.dma_semaphore, #tpu.memory_space<semaphore_mem>>
      %dma_start3A_31 = arith.constant 0 : i32
      %dma_start3A_32 = tpu.memref_slice %arg6[%arg0, %mul3A_30, %dma_start3A_31] : memref<2x10240x128xf32, #tpu.memory_space<hbm>> -> memref<1x640x128xf32, #tpu.memory_space<hbm>>
      %dma_start3A_33 = tpu.memref_squeeze %dma_start3A_32 : memref<1x640x128xf32, #tpu.memory_space<hbm>> -> memref<640x128xf32, #tpu.memory_space<hbm>>
      %dma_start3A_34 = arith.constant 0 : i32
      %dma_start3A_35 = tpu.memref_slice %arg7[%mul3A_28, %dma_start3A_34] : memref<10240x128xf32, #tpu.memory_space<vmem_shared>> -> memref<640x128xf32, #tpu.memory_space<vmem_shared>>
      tpu.enqueue_dma source(%dma_start3A_35 : memref<640x128xf32, #tpu.memory_space<vmem_shared>>) target(%dma_start3A_33 : memref<640x128xf32, #tpu.memory_space<hbm>>) target_semaphore(%run_scoped3A : memref<!tpu.dma_semaphore, #tpu.memory_space<semaphore_mem>>)
      %dma_wait3A_36 = arith.constant 0 : i32
      %dma_wait3A_37 = tpu.memref_slice %arg6[%arg0, %mul3A_30, %dma_wait3A_36] : memref<2x10240x128xf32, #tpu.memory_space<hbm>> -> memref<1x640x128xf32, #tpu.memory_space<hbm>>
      %dma_wait3A_38 = tpu.memref_squeeze %dma_wait3A_37 : memref<1x640x128xf32, #tpu.memory_space<hbm>> -> memref<640x128xf32, #tpu.memory_space<hbm>>
      %dma_wait3A_39 = arith.constant 0 : i32
      %dma_wait3A_40 = tpu.memref_slice %arg7[%mul3A_28, %dma_wait3A_39] : memref<10240x128xf32, #tpu.memory_space<vmem_shared>> -> memref<640x128xf32, #tpu.memory_space<vmem_shared>>
      tpu.wait_dma2 semaphore(%run_scoped3A : memref<!tpu.dma_semaphore, #tpu.memory_space<semaphore_mem>>) src(%dma_wait3A_40 : memref<640x128xf32, #tpu.memory_space<vmem_shared>>) dst(%dma_wait3A_38 : memref<640x128xf32, #tpu.memory_space<hbm>>)
      tpu.yield
    }) : () -> ()
    return
  }
}

#map = affine_map<(d0, d1) -> (0, 0)>
#map1 = affine_map<(d0, d1) -> (0, 0, 0)>
module attributes {stable_mosaic.version = 14 : i64} {
  func.func @scat_kernel(%arg0: i32, %arg1: i32, %arg2: memref<10000x128xf32, #tpu.memory_space<hbm>>, %arg3: memref<32x97x128xi32, #tpu.memory_space<hbm>>, %arg4: memref<32x97x128xi32, #tpu.memory_space<hbm>>, %arg5: memref<640x128xf32, #tpu.memory_space<hbm>>, %arg6: memref<2x10240x128xf32, #tpu.memory_space<hbm>>, %arg7: memref<10240x128xf32, #tpu.memory_space<vmem_shared>>, %arg8: memref<97x128xi32, #tpu.memory_space<vmem>>, %arg9: memref<97x128xi32, #tpu.memory_space<vmem>>, %arg10: memref<64x128xf32, #tpu.memory_space<vmem>>, %arg11: memref<64x128xf32, #tpu.memory_space<vmem>>, %arg12: memref<!tpu.dma_semaphore, #tpu.memory_space<semaphore_mem>>, %arg13: memref<!tpu.dma_semaphore, #tpu.memory_space<semaphore_mem>>) attributes {dimension_semantics = [#tpu.dimension_semantics<core_parallel>, #tpu.dimension_semantics<subcore_parallel>], iteration_bounds = array<i64: 2, 16>, scalar_prefetch = 0 : i64, scratch_operands = 7 : i64, tpu.core_type = #tpu.core_type<sc_vector_subcore>, window_params = [{transform_indices = #map}, {transform_indices = #map1}, {transform_indices = #map1}, {transform_indices = #map}, {transform_indices = #map1}]} {
    %mul3A = arith.constant 16 : i32
    %mul3A_0 = arith.muli %arg0, %mul3A : i32
    %add3A = arith.addi %mul3A_0, %arg1 : i32
    %eq3A = arith.constant 0 : i32
    %eq3A_1 = arith.cmpi eq, %arg0, %eq3A : i32
    %jit3A = arith.constant 97 : i32
    %jit3A_2 = arith.constant 60 : i32
    %select_n3A = arith.select %eq3A_1, %jit3A, %jit3A_2 : i32
    "tpu.region"() ({
      %run_scoped3A = tpu.sem_alloc : memref<!tpu.dma_semaphore, #tpu.memory_space<semaphore_mem>>
      %dma_start3A_31 = arith.constant 0 : i32
      %dma_start3A_32 = arith.constant 0 : i32
      %dma_start3A_33 = tpu.memref_slice %arg3[%add3A, %dma_start3A_31, %dma_start3A_32] : memref<32x97x128xi32, #tpu.memory_space<hbm>> -> memref<1x97x128xi32, #tpu.memory_space<hbm>>
      %dma_start3A_34 = tpu.memref_squeeze %dma_start3A_33 : memref<1x97x128xi32, #tpu.memory_space<hbm>> -> memref<97x128xi32, #tpu.memory_space<hbm>>
      %dma_start3A_35 = arith.constant 0 : i32
      %dma_start3A_36 = arith.constant 0 : i32
      %dma_start3A_37 = tpu.memref_slice %arg3[%add3A, %dma_start3A_35, %dma_start3A_36] : memref<32x97x128xi32, #tpu.memory_space<hbm>> -> memref<1x97x128xi32, #tpu.memory_space<hbm>>
      %dma_start3A_38 = tpu.memref_squeeze %dma_start3A_37 : memref<1x97x128xi32, #tpu.memory_space<hbm>> -> memref<97x128xi32, #tpu.memory_space<hbm>>
      tpu.enqueue_dma source(%dma_start3A_38 : memref<97x128xi32, #tpu.memory_space<hbm>>) target(%arg8 : memref<97x128xi32, #tpu.memory_space<vmem>>) target_semaphore(%run_scoped3A : memref<!tpu.dma_semaphore, #tpu.memory_space<semaphore_mem>>)
      %dma_wait3A_39 = arith.constant 0 : i32
      %dma_wait3A_40 = arith.constant 0 : i32
      %dma_wait3A_41 = tpu.memref_slice %arg3[%add3A, %dma_wait3A_39, %dma_wait3A_40] : memref<32x97x128xi32, #tpu.memory_space<hbm>> -> memref<1x97x128xi32, #tpu.memory_space<hbm>>
      %dma_wait3A_42 = tpu.memref_squeeze %dma_wait3A_41 : memref<1x97x128xi32, #tpu.memory_space<hbm>> -> memref<97x128xi32, #tpu.memory_space<hbm>>
      %dma_wait3A_43 = arith.constant 0 : i32
      %dma_wait3A_44 = arith.constant 0 : i32
      %dma_wait3A_45 = tpu.memref_slice %arg3[%add3A, %dma_wait3A_43, %dma_wait3A_44] : memref<32x97x128xi32, #tpu.memory_space<hbm>> -> memref<1x97x128xi32, #tpu.memory_space<hbm>>
      %dma_wait3A_46 = tpu.memref_squeeze %dma_wait3A_45 : memref<1x97x128xi32, #tpu.memory_space<hbm>> -> memref<97x128xi32, #tpu.memory_space<hbm>>
      tpu.wait_dma2 semaphore(%run_scoped3A : memref<!tpu.dma_semaphore, #tpu.memory_space<semaphore_mem>>) src(%dma_wait3A_46 : memref<97x128xi32, #tpu.memory_space<hbm>>) dst(%arg8 : memref<97x128xi32, #tpu.memory_space<vmem>>)
      tpu.yield
    }) : () -> ()
    "tpu.region"() ({
      %run_scoped3A = tpu.sem_alloc : memref<!tpu.dma_semaphore, #tpu.memory_space<semaphore_mem>>
      %dma_start3A_31 = arith.constant 0 : i32
      %dma_start3A_32 = arith.constant 0 : i32
      %dma_start3A_33 = tpu.memref_slice %arg4[%add3A, %dma_start3A_31, %dma_start3A_32] : memref<32x97x128xi32, #tpu.memory_space<hbm>> -> memref<1x97x128xi32, #tpu.memory_space<hbm>>
      %dma_start3A_34 = tpu.memref_squeeze %dma_start3A_33 : memref<1x97x128xi32, #tpu.memory_space<hbm>> -> memref<97x128xi32, #tpu.memory_space<hbm>>
      %dma_start3A_35 = arith.constant 0 : i32
      %dma_start3A_36 = arith.constant 0 : i32
      %dma_start3A_37 = tpu.memref_slice %arg4[%add3A, %dma_start3A_35, %dma_start3A_36] : memref<32x97x128xi32, #tpu.memory_space<hbm>> -> memref<1x97x128xi32, #tpu.memory_space<hbm>>
      %dma_start3A_38 = tpu.memref_squeeze %dma_start3A_37 : memref<1x97x128xi32, #tpu.memory_space<hbm>> -> memref<97x128xi32, #tpu.memory_space<hbm>>
      tpu.enqueue_dma source(%dma_start3A_38 : memref<97x128xi32, #tpu.memory_space<hbm>>) target(%arg9 : memref<97x128xi32, #tpu.memory_space<vmem>>) target_semaphore(%run_scoped3A : memref<!tpu.dma_semaphore, #tpu.memory_space<semaphore_mem>>)
      %dma_wait3A_39 = arith.constant 0 : i32
      %dma_wait3A_40 = arith.constant 0 : i32
      %dma_wait3A_41 = tpu.memref_slice %arg4[%add3A, %dma_wait3A_39, %dma_wait3A_40] : memref<32x97x128xi32, #tpu.memory_space<hbm>> -> memref<1x97x128xi32, #tpu.memory_space<hbm>>
      %dma_wait3A_42 = tpu.memref_squeeze %dma_wait3A_41 : memref<1x97x128xi32, #tpu.memory_space<hbm>> -> memref<97x128xi32, #tpu.memory_space<hbm>>
      %dma_wait3A_43 = arith.constant 0 : i32
      %dma_wait3A_44 = arith.constant 0 : i32
      %dma_wait3A_45 = tpu.memref_slice %arg4[%add3A, %dma_wait3A_43, %dma_wait3A_44] : memref<32x97x128xi32, #tpu.memory_space<hbm>> -> memref<1x97x128xi32, #tpu.memory_space<hbm>>
      %dma_wait3A_46 = tpu.memref_squeeze %dma_wait3A_45 : memref<1x97x128xi32, #tpu.memory_space<hbm>> -> memref<97x128xi32, #tpu.memory_space<hbm>>
      tpu.wait_dma2 semaphore(%run_scoped3A : memref<!tpu.dma_semaphore, #tpu.memory_space<semaphore_mem>>) src(%dma_wait3A_46 : memref<97x128xi32, #tpu.memory_space<hbm>>) dst(%arg9 : memref<97x128xi32, #tpu.memory_space<vmem>>)
      tpu.yield
    }) : () -> ()
    %mul3A_3 = arith.constant 640 : i32
    %mul3A_4 = arith.muli %arg1, %mul3A_3 : i32
    "tpu.region"() ({
      %run_scoped3A = tpu.sem_alloc : memref<!tpu.dma_semaphore, #tpu.memory_space<semaphore_mem>>
      %dma_start3A_31 = arith.constant 0 : i32
      %dma_start3A_32 = tpu.memref_slice %arg7[%mul3A_4, %dma_start3A_31] : memref<10240x128xf32, #tpu.memory_space<vmem_shared>> -> memref<640x128xf32, #tpu.memory_space<vmem_shared>>
      tpu.enqueue_dma source(%arg5 : memref<640x128xf32, #tpu.memory_space<hbm>>) target(%dma_start3A_32 : memref<640x128xf32, #tpu.memory_space<vmem_shared>>) target_semaphore(%run_scoped3A : memref<!tpu.dma_semaphore, #tpu.memory_space<semaphore_mem>>)
      %dma_wait3A_33 = arith.constant 0 : i32
      %dma_wait3A_34 = tpu.memref_slice %arg7[%mul3A_4, %dma_wait3A_33] : memref<10240x128xf32, #tpu.memory_space<vmem_shared>> -> memref<640x128xf32, #tpu.memory_space<vmem_shared>>
      tpu.wait_dma2 semaphore(%run_scoped3A : memref<!tpu.dma_semaphore, #tpu.memory_space<semaphore_mem>>) src(%arg5 : memref<640x128xf32, #tpu.memory_space<hbm>>) dst(%dma_wait3A_34 : memref<640x128xf32, #tpu.memory_space<vmem_shared>>)
      tpu.yield
    }) : () -> ()
    %barrier3A = arith.constant 0 : index
    tpu.barrier barrier_id(%barrier3A)
    %dma_start3A = arith.constant 0 : i32
    %dma_start3A_5 = arith.constant 0 : i32
    %dma_start3A_6 = tpu.memref_slice %arg8[%dma_start3A, %dma_start3A_5] : memref<97x128xi32, #tpu.memory_space<vmem>> -> memref<1x64xi32, #tpu.memory_space<vmem>>
    %dma_start3A_7 = tpu.memref_squeeze %dma_start3A_6 : memref<1x64xi32, #tpu.memory_space<vmem>> -> memref<64xi32, #tpu.memory_space<vmem>>
    %dma_start3A_8 = arith.constant 0 : i32
    %dma_start3A_9 = arith.constant 0 : i32
    %dma_start3A_10 = tpu.memref_slice %arg2[%dma_start3A_8, %dma_start3A_9] : memref<10000x128xf32, #tpu.memory_space<hbm>> -> memref<10000x128xf32, #tpu.memory_space<hbm>>
    tpu.enqueue_indirect_dma source(%dma_start3A_10 : memref<10000x128xf32, #tpu.memory_space<hbm>>) target(%arg10 : memref<64x128xf32, #tpu.memory_space<vmem>>) offsets(%dma_start3A_7 : memref<64xi32, #tpu.memory_space<vmem>>) semaphore(%arg12 : memref<!tpu.dma_semaphore, #tpu.memory_space<semaphore_mem>>)
    %while3A = arith.constant 0 : i32
    %while3A_11 = arith.constant 0 : i32
    %while3A_12 = arith.subi %select_n3A, %while3A_11 : i32
    %while3A_13 = arith.addi %while3A_11, %while3A_12 : i32
    %while3A_14 = arith.constant 1 : i32
    %while3A_15 = arith.divsi %while3A_12, %while3A_14 : i32
    %while3A_16 = arith.muli %while3A_15, %while3A_14 : i32
    %while3A_17 = arith.addi %while3A_11, %while3A_16 : i32
    %while3A_18 = arith.constant 1 : i32
    scf.for %while3A_31 = %while3A_11 to %while3A_17 step %while3A_18  : i32 {
      %add3A_32 = arith.constant 1 : i32
      %add3A_33 = arith.addi %while3A_31, %add3A_32 : i32
      %sub3A = arith.constant 1 : i32
      %sub3A_34 = arith.subi %select_n3A, %sub3A : i32
      %min3A = arith.minsi %add3A_33, %sub3A_34 : i32
      %dma_wait3A_35 = arith.constant 0 : i32
      %dma_wait3A_36 = tpu.memref_slice %arg8[%while3A_31, %dma_wait3A_35] : memref<97x128xi32, #tpu.memory_space<vmem>> -> memref<1x64xi32, #tpu.memory_space<vmem>>
      %dma_wait3A_37 = tpu.memref_squeeze %dma_wait3A_36 : memref<1x64xi32, #tpu.memory_space<vmem>> -> memref<64xi32, #tpu.memory_space<vmem>>
      %dma_wait3A_38 = arith.constant 0 : i32
      %dma_wait3A_39 = arith.constant 0 : i32
      %dma_wait3A_40 = tpu.memref_slice %arg2[%dma_wait3A_38, %dma_wait3A_39] : memref<10000x128xf32, #tpu.memory_space<hbm>> -> memref<10000x128xf32, #tpu.memory_space<hbm>>
      tpu.wait_indirect_dma semaphore(%arg12 : memref<!tpu.dma_semaphore, #tpu.memory_space<semaphore_mem>>) src(%dma_wait3A_40 : memref<10000x128xf32, #tpu.memory_space<hbm>>) dst(%arg10 : memref<64x128xf32, #tpu.memory_space<vmem>>)
      %dma_start3A_41 = arith.constant 64 : i32
      %dma_start3A_42 = tpu.memref_slice %arg8[%while3A_31, %dma_start3A_41] : memref<97x128xi32, #tpu.memory_space<vmem>> -> memref<1x64xi32, #tpu.memory_space<vmem>>
      %dma_start3A_43 = tpu.memref_squeeze %dma_start3A_42 : memref<1x64xi32, #tpu.memory_space<vmem>> -> memref<64xi32, #tpu.memory_space<vmem>>
      %dma_start3A_44 = arith.constant 0 : i32
      %dma_start3A_45 = arith.constant 0 : i32
      %dma_start3A_46 = tpu.memref_slice %arg2[%dma_start3A_44, %dma_start3A_45] : memref<10000x128xf32, #tpu.memory_space<hbm>> -> memref<10000x128xf32, #tpu.memory_space<hbm>>
      tpu.enqueue_indirect_dma source(%dma_start3A_46 : memref<10000x128xf32, #tpu.memory_space<hbm>>) target(%arg11 : memref<64x128xf32, #tpu.memory_space<vmem>>) offsets(%dma_start3A_43 : memref<64xi32, #tpu.memory_space<vmem>>) semaphore(%arg13 : memref<!tpu.dma_semaphore, #tpu.memory_space<semaphore_mem>>)
      "tpu.region"() ({
        %run_scoped3A = tpu.sem_alloc : memref<!tpu.dma_semaphore, #tpu.memory_space<semaphore_mem>>
        %dma_start3A_59 = arith.constant 0 : i32
        %dma_start3A_60 = tpu.memref_slice %arg9[%while3A_31, %dma_start3A_59] : memref<97x128xi32, #tpu.memory_space<vmem>> -> memref<1x64xi32, #tpu.memory_space<vmem>>
        %dma_start3A_61 = tpu.memref_squeeze %dma_start3A_60 : memref<1x64xi32, #tpu.memory_space<vmem>> -> memref<64xi32, #tpu.memory_space<vmem>>
        %dma_start3A_62 = arith.constant 0 : i32
        %dma_start3A_63 = arith.constant 0 : i32
        %dma_start3A_64 = tpu.memref_slice %arg7[%dma_start3A_62, %dma_start3A_63] : memref<10240x128xf32, #tpu.memory_space<vmem_shared>> -> memref<10240x128xf32, #tpu.memory_space<vmem_shared>>
        tpu.enqueue_indirect_dma source(%arg10 : memref<64x128xf32, #tpu.memory_space<vmem>>) target(%dma_start3A_64 : memref<10240x128xf32, #tpu.memory_space<vmem_shared>>) offsets(%dma_start3A_61 : memref<64xi32, #tpu.memory_space<vmem>>) semaphore(%run_scoped3A : memref<!tpu.dma_semaphore, #tpu.memory_space<semaphore_mem>>) {add = true}
        %dma_wait3A_65 = arith.constant 0 : i32
        %dma_wait3A_66 = tpu.memref_slice %arg9[%while3A_31, %dma_wait3A_65] : memref<97x128xi32, #tpu.memory_space<vmem>> -> memref<1x64xi32, #tpu.memory_space<vmem>>
        %dma_wait3A_67 = tpu.memref_squeeze %dma_wait3A_66 : memref<1x64xi32, #tpu.memory_space<vmem>> -> memref<64xi32, #tpu.memory_space<vmem>>
        %dma_wait3A_68 = arith.constant 0 : i32
        %dma_wait3A_69 = arith.constant 0 : i32
        %dma_wait3A_70 = tpu.memref_slice %arg7[%dma_wait3A_68, %dma_wait3A_69] : memref<10240x128xf32, #tpu.memory_space<vmem_shared>> -> memref<10240x128xf32, #tpu.memory_space<vmem_shared>>
        tpu.wait_indirect_dma semaphore(%run_scoped3A : memref<!tpu.dma_semaphore, #tpu.memory_space<semaphore_mem>>) src(%arg10 : memref<64x128xf32, #tpu.memory_space<vmem>>) dst(%dma_wait3A_70 : memref<10240x128xf32, #tpu.memory_space<vmem_shared>>)
        tpu.yield
      }) : () -> ()
      %dma_wait3A_47 = arith.constant 64 : i32
      %dma_wait3A_48 = tpu.memref_slice %arg8[%while3A_31, %dma_wait3A_47] : memref<97x128xi32, #tpu.memory_space<vmem>> -> memref<1x64xi32, #tpu.memory_space<vmem>>
      %dma_wait3A_49 = tpu.memref_squeeze %dma_wait3A_48 : memref<1x64xi32, #tpu.memory_space<vmem>> -> memref<64xi32, #tpu.memory_space<vmem>>
      %dma_wait3A_50 = arith.constant 0 : i32
      %dma_wait3A_51 = arith.constant 0 : i32
      %dma_wait3A_52 = tpu.memref_slice %arg2[%dma_wait3A_50, %dma_wait3A_51] : memref<10000x128xf32, #tpu.memory_space<hbm>> -> memref<10000x128xf32, #tpu.memory_space<hbm>>
      tpu.wait_indirect_dma semaphore(%arg13 : memref<!tpu.dma_semaphore, #tpu.memory_space<semaphore_mem>>) src(%dma_wait3A_52 : memref<10000x128xf32, #tpu.memory_space<hbm>>) dst(%arg11 : memref<64x128xf32, #tpu.memory_space<vmem>>)
      %dma_start3A_53 = arith.constant 0 : i32
      %dma_start3A_54 = tpu.memref_slice %arg8[%min3A, %dma_start3A_53] : memref<97x128xi32, #tpu.memory_space<vmem>> -> memref<1x64xi32, #tpu.memory_space<vmem>>
      %dma_start3A_55 = tpu.memref_squeeze %dma_start3A_54 : memref<1x64xi32, #tpu.memory_space<vmem>> -> memref<64xi32, #tpu.memory_space<vmem>>
      %dma_start3A_56 = arith.constant 0 : i32
      %dma_start3A_57 = arith.constant 0 : i32
      %dma_start3A_58 = tpu.memref_slice %arg2[%dma_start3A_56, %dma_start3A_57] : memref<10000x128xf32, #tpu.memory_space<hbm>> -> memref<10000x128xf32, #tpu.memory_space<hbm>>
      tpu.enqueue_indirect_dma source(%dma_start3A_58 : memref<10000x128xf32, #tpu.memory_space<hbm>>) target(%arg10 : memref<64x128xf32, #tpu.memory_space<vmem>>) offsets(%dma_start3A_55 : memref<64xi32, #tpu.memory_space<vmem>>) semaphore(%arg12 : memref<!tpu.dma_semaphore, #tpu.memory_space<semaphore_mem>>)
      "tpu.region"() ({
        %run_scoped3A = tpu.sem_alloc : memref<!tpu.dma_semaphore, #tpu.memory_space<semaphore_mem>>
        %dma_start3A_59 = arith.constant 64 : i32
        %dma_start3A_60 = tpu.memref_slice %arg9[%while3A_31, %dma_start3A_59] : memref<97x128xi32, #tpu.memory_space<vmem>> -> memref<1x64xi32, #tpu.memory_space<vmem>>
        %dma_start3A_61 = tpu.memref_squeeze %dma_start3A_60 : memref<1x64xi32, #tpu.memory_space<vmem>> -> memref<64xi32, #tpu.memory_space<vmem>>
        %dma_start3A_62 = arith.constant 0 : i32
        %dma_start3A_63 = arith.constant 0 : i32
        %dma_start3A_64 = tpu.memref_slice %arg7[%dma_start3A_62, %dma_start3A_63] : memref<10240x128xf32, #tpu.memory_space<vmem_shared>> -> memref<10240x128xf32, #tpu.memory_space<vmem_shared>>
        tpu.enqueue_indirect_dma source(%arg11 : memref<64x128xf32, #tpu.memory_space<vmem>>) target(%dma_start3A_64 : memref<10240x128xf32, #tpu.memory_space<vmem_shared>>) offsets(%dma_start3A_61 : memref<64xi32, #tpu.memory_space<vmem>>) semaphore(%run_scoped3A : memref<!tpu.dma_semaphore, #tpu.memory_space<semaphore_mem>>) {add = true}
        %dma_wait3A_65 = arith.constant 64 : i32
        %dma_wait3A_66 = tpu.memref_slice %arg9[%while3A_31, %dma_wait3A_65] : memref<97x128xi32, #tpu.memory_space<vmem>> -> memref<1x64xi32, #tpu.memory_space<vmem>>
        %dma_wait3A_67 = tpu.memref_squeeze %dma_wait3A_66 : memref<1x64xi32, #tpu.memory_space<vmem>> -> memref<64xi32, #tpu.memory_space<vmem>>
        %dma_wait3A_68 = arith.constant 0 : i32
        %dma_wait3A_69 = arith.constant 0 : i32
        %dma_wait3A_70 = tpu.memref_slice %arg7[%dma_wait3A_68, %dma_wait3A_69] : memref<10240x128xf32, #tpu.memory_space<vmem_shared>> -> memref<10240x128xf32, #tpu.memory_space<vmem_shared>>
        tpu.wait_indirect_dma semaphore(%run_scoped3A : memref<!tpu.dma_semaphore, #tpu.memory_space<semaphore_mem>>) src(%arg11 : memref<64x128xf32, #tpu.memory_space<vmem>>) dst(%dma_wait3A_70 : memref<10240x128xf32, #tpu.memory_space<vmem_shared>>)
        tpu.yield
      }) : () -> ()
    }
    %while3A_19 = arith.constant 1 : i32
    scf.for %while3A_31 = %while3A_17 to %while3A_13 step %while3A_19  : i32 {
      %add3A_32 = arith.constant 1 : i32
      %add3A_33 = arith.addi %while3A_31, %add3A_32 : i32
      %sub3A = arith.constant 1 : i32
      %sub3A_34 = arith.subi %select_n3A, %sub3A : i32
      %min3A = arith.minsi %add3A_33, %sub3A_34 : i32
      %dma_wait3A_35 = arith.constant 0 : i32
      %dma_wait3A_36 = tpu.memref_slice %arg8[%while3A_31, %dma_wait3A_35] : memref<97x128xi32, #tpu.memory_space<vmem>> -> memref<1x64xi32, #tpu.memory_space<vmem>>
      %dma_wait3A_37 = tpu.memref_squeeze %dma_wait3A_36 : memref<1x64xi32, #tpu.memory_space<vmem>> -> memref<64xi32, #tpu.memory_space<vmem>>
      %dma_wait3A_38 = arith.constant 0 : i32
      %dma_wait3A_39 = arith.constant 0 : i32
      %dma_wait3A_40 = tpu.memref_slice %arg2[%dma_wait3A_38, %dma_wait3A_39] : memref<10000x128xf32, #tpu.memory_space<hbm>> -> memref<10000x128xf32, #tpu.memory_space<hbm>>
      tpu.wait_indirect_dma semaphore(%arg12 : memref<!tpu.dma_semaphore, #tpu.memory_space<semaphore_mem>>) src(%dma_wait3A_40 : memref<10000x128xf32, #tpu.memory_space<hbm>>) dst(%arg10 : memref<64x128xf32, #tpu.memory_space<vmem>>)
      %dma_start3A_41 = arith.constant 64 : i32
      %dma_start3A_42 = tpu.memref_slice %arg8[%while3A_31, %dma_start3A_41] : memref<97x128xi32, #tpu.memory_space<vmem>> -> memref<1x64xi32, #tpu.memory_space<vmem>>
      %dma_start3A_43 = tpu.memref_squeeze %dma_start3A_42 : memref<1x64xi32, #tpu.memory_space<vmem>> -> memref<64xi32, #tpu.memory_space<vmem>>
      %dma_start3A_44 = arith.constant 0 : i32
      %dma_start3A_45 = arith.constant 0 : i32
      %dma_start3A_46 = tpu.memref_slice %arg2[%dma_start3A_44, %dma_start3A_45] : memref<10000x128xf32, #tpu.memory_space<hbm>> -> memref<10000x128xf32, #tpu.memory_space<hbm>>
      tpu.enqueue_indirect_dma source(%dma_start3A_46 : memref<10000x128xf32, #tpu.memory_space<hbm>>) target(%arg11 : memref<64x128xf32, #tpu.memory_space<vmem>>) offsets(%dma_start3A_43 : memref<64xi32, #tpu.memory_space<vmem>>) semaphore(%arg13 : memref<!tpu.dma_semaphore, #tpu.memory_space<semaphore_mem>>)
      "tpu.region"() ({
        %run_scoped3A = tpu.sem_alloc : memref<!tpu.dma_semaphore, #tpu.memory_space<semaphore_mem>>
        %dma_start3A_59 = arith.constant 0 : i32
        %dma_start3A_60 = tpu.memref_slice %arg9[%while3A_31, %dma_start3A_59] : memref<97x128xi32, #tpu.memory_space<vmem>> -> memref<1x64xi32, #tpu.memory_space<vmem>>
        %dma_start3A_61 = tpu.memref_squeeze %dma_start3A_60 : memref<1x64xi32, #tpu.memory_space<vmem>> -> memref<64xi32, #tpu.memory_space<vmem>>
        %dma_start3A_62 = arith.constant 0 : i32
        %dma_start3A_63 = arith.constant 0 : i32
        %dma_start3A_64 = tpu.memref_slice %arg7[%dma_start3A_62, %dma_start3A_63] : memref<10240x128xf32, #tpu.memory_space<vmem_shared>> -> memref<10240x128xf32, #tpu.memory_space<vmem_shared>>
        tpu.enqueue_indirect_dma source(%arg10 : memref<64x128xf32, #tpu.memory_space<vmem>>) target(%dma_start3A_64 : memref<10240x128xf32, #tpu.memory_space<vmem_shared>>) offsets(%dma_start3A_61 : memref<64xi32, #tpu.memory_space<vmem>>) semaphore(%run_scoped3A : memref<!tpu.dma_semaphore, #tpu.memory_space<semaphore_mem>>) {add = true}
        %dma_wait3A_65 = arith.constant 0 : i32
        %dma_wait3A_66 = tpu.memref_slice %arg9[%while3A_31, %dma_wait3A_65] : memref<97x128xi32, #tpu.memory_space<vmem>> -> memref<1x64xi32, #tpu.memory_space<vmem>>
        %dma_wait3A_67 = tpu.memref_squeeze %dma_wait3A_66 : memref<1x64xi32, #tpu.memory_space<vmem>> -> memref<64xi32, #tpu.memory_space<vmem>>
        %dma_wait3A_68 = arith.constant 0 : i32
        %dma_wait3A_69 = arith.constant 0 : i32
        %dma_wait3A_70 = tpu.memref_slice %arg7[%dma_wait3A_68, %dma_wait3A_69] : memref<10240x128xf32, #tpu.memory_space<vmem_shared>> -> memref<10240x128xf32, #tpu.memory_space<vmem_shared>>
        tpu.wait_indirect_dma semaphore(%run_scoped3A : memref<!tpu.dma_semaphore, #tpu.memory_space<semaphore_mem>>) src(%arg10 : memref<64x128xf32, #tpu.memory_space<vmem>>) dst(%dma_wait3A_70 : memref<10240x128xf32, #tpu.memory_space<vmem_shared>>)
        tpu.yield
      }) : () -> ()
      %dma_wait3A_47 = arith.constant 64 : i32
      %dma_wait3A_48 = tpu.memref_slice %arg8[%while3A_31, %dma_wait3A_47] : memref<97x128xi32, #tpu.memory_space<vmem>> -> memref<1x64xi32, #tpu.memory_space<vmem>>
      %dma_wait3A_49 = tpu.memref_squeeze %dma_wait3A_48 : memref<1x64xi32, #tpu.memory_space<vmem>> -> memref<64xi32, #tpu.memory_space<vmem>>
      %dma_wait3A_50 = arith.constant 0 : i32
      %dma_wait3A_51 = arith.constant 0 : i32
      %dma_wait3A_52 = tpu.memref_slice %arg2[%dma_wait3A_50, %dma_wait3A_51] : memref<10000x128xf32, #tpu.memory_space<hbm>> -> memref<10000x128xf32, #tpu.memory_space<hbm>>
      tpu.wait_indirect_dma semaphore(%arg13 : memref<!tpu.dma_semaphore, #tpu.memory_space<semaphore_mem>>) src(%dma_wait3A_52 : memref<10000x128xf32, #tpu.memory_space<hbm>>) dst(%arg11 : memref<64x128xf32, #tpu.memory_space<vmem>>)
      %dma_start3A_53 = arith.constant 0 : i32
      %dma_start3A_54 = tpu.memref_slice %arg8[%min3A, %dma_start3A_53] : memref<97x128xi32, #tpu.memory_space<vmem>> -> memref<1x64xi32, #tpu.memory_space<vmem>>
      %dma_start3A_55 = tpu.memref_squeeze %dma_start3A_54 : memref<1x64xi32, #tpu.memory_space<vmem>> -> memref<64xi32, #tpu.memory_space<vmem>>
      %dma_start3A_56 = arith.constant 0 : i32
      %dma_start3A_57 = arith.constant 0 : i32
      %dma_start3A_58 = tpu.memref_slice %arg2[%dma_start3A_56, %dma_start3A_57] : memref<10000x128xf32, #tpu.memory_space<hbm>> -> memref<10000x128xf32, #tpu.memory_space<hbm>>
      tpu.enqueue_indirect_dma source(%dma_start3A_58 : memref<10000x128xf32, #tpu.memory_space<hbm>>) target(%arg10 : memref<64x128xf32, #tpu.memory_space<vmem>>) offsets(%dma_start3A_55 : memref<64xi32, #tpu.memory_space<vmem>>) semaphore(%arg12 : memref<!tpu.dma_semaphore, #tpu.memory_space<semaphore_mem>>)
      "tpu.region"() ({
        %run_scoped3A = tpu.sem_alloc : memref<!tpu.dma_semaphore, #tpu.memory_space<semaphore_mem>>
        %dma_start3A_59 = arith.constant 64 : i32
        %dma_start3A_60 = tpu.memref_slice %arg9[%while3A_31, %dma_start3A_59] : memref<97x128xi32, #tpu.memory_space<vmem>> -> memref<1x64xi32, #tpu.memory_space<vmem>>
        %dma_start3A_61 = tpu.memref_squeeze %dma_start3A_60 : memref<1x64xi32, #tpu.memory_space<vmem>> -> memref<64xi32, #tpu.memory_space<vmem>>
        %dma_start3A_62 = arith.constant 0 : i32
        %dma_start3A_63 = arith.constant 0 : i32
        %dma_start3A_64 = tpu.memref_slice %arg7[%dma_start3A_62, %dma_start3A_63] : memref<10240x128xf32, #tpu.memory_space<vmem_shared>> -> memref<10240x128xf32, #tpu.memory_space<vmem_shared>>
        tpu.enqueue_indirect_dma source(%arg11 : memref<64x128xf32, #tpu.memory_space<vmem>>) target(%dma_start3A_64 : memref<10240x128xf32, #tpu.memory_space<vmem_shared>>) offsets(%dma_start3A_61 : memref<64xi32, #tpu.memory_space<vmem>>) semaphore(%run_scoped3A : memref<!tpu.dma_semaphore, #tpu.memory_space<semaphore_mem>>) {add = true}
        %dma_wait3A_65 = arith.constant 64 : i32
        %dma_wait3A_66 = tpu.memref_slice %arg9[%while3A_31, %dma_wait3A_65] : memref<97x128xi32, #tpu.memory_space<vmem>> -> memref<1x64xi32, #tpu.memory_space<vmem>>
        %dma_wait3A_67 = tpu.memref_squeeze %dma_wait3A_66 : memref<1x64xi32, #tpu.memory_space<vmem>> -> memref<64xi32, #tpu.memory_space<vmem>>
        %dma_wait3A_68 = arith.constant 0 : i32
        %dma_wait3A_69 = arith.constant 0 : i32
        %dma_wait3A_70 = tpu.memref_slice %arg7[%dma_wait3A_68, %dma_wait3A_69] : memref<10240x128xf32, #tpu.memory_space<vmem_shared>> -> memref<10240x128xf32, #tpu.memory_space<vmem_shared>>
        tpu.wait_indirect_dma semaphore(%run_scoped3A : memref<!tpu.dma_semaphore, #tpu.memory_space<semaphore_mem>>) src(%arg11 : memref<64x128xf32, #tpu.memory_space<vmem>>) dst(%dma_wait3A_70 : memref<10240x128xf32, #tpu.memory_space<vmem_shared>>)
        tpu.yield
      }) : () -> ()
    }
    %dma_wait3A = arith.constant 0 : i32
    %dma_wait3A_20 = arith.constant 0 : i32
    %dma_wait3A_21 = tpu.memref_slice %arg8[%dma_wait3A, %dma_wait3A_20] : memref<97x128xi32, #tpu.memory_space<vmem>> -> memref<1x64xi32, #tpu.memory_space<vmem>>
    %dma_wait3A_22 = tpu.memref_squeeze %dma_wait3A_21 : memref<1x64xi32, #tpu.memory_space<vmem>> -> memref<64xi32, #tpu.memory_space<vmem>>
    %dma_wait3A_23 = arith.constant 0 : i32
    %dma_wait3A_24 = arith.constant 0 : i32
    %dma_wait3A_25 = tpu.memref_slice %arg2[%dma_wait3A_23, %dma_wait3A_24] : memref<10000x128xf32, #tpu.memory_space<hbm>> -> memref<10000x128xf32, #tpu.memory_space<hbm>>
    tpu.wait_indirect_dma semaphore(%arg12 : memref<!tpu.dma_semaphore, #tpu.memory_space<semaphore_mem>>) src(%dma_wait3A_25 : memref<10000x128xf32, #tpu.memory_space<hbm>>) dst(%arg10 : memref<64x128xf32, #tpu.memory_space<vmem>>)
    %barrier3A_26 = arith.constant 0 : index
    tpu.barrier barrier_id(%barrier3A_26)
    %mul3A_27 = arith.constant 640 : i32
    %mul3A_28 = arith.muli %arg1, %mul3A_27 : i32
    %mul3A_29 = arith.constant 640 : i32
    %mul3A_30 = arith.muli %arg1, %mul3A_29 : i32
    "tpu.region"() ({
      %run_scoped3A = tpu.sem_alloc : memref<!tpu.dma_semaphore, #tpu.memory_space<semaphore_mem>>
      %dma_start3A_31 = arith.constant 0 : i32
      %dma_start3A_32 = tpu.memref_slice %arg6[%arg0, %mul3A_30, %dma_start3A_31] : memref<2x10240x128xf32, #tpu.memory_space<hbm>> -> memref<1x640x128xf32, #tpu.memory_space<hbm>>
      %dma_start3A_33 = tpu.memref_squeeze %dma_start3A_32 : memref<1x640x128xf32, #tpu.memory_space<hbm>> -> memref<640x128xf32, #tpu.memory_space<hbm>>
      %dma_start3A_34 = arith.constant 0 : i32
      %dma_start3A_35 = tpu.memref_slice %arg7[%mul3A_28, %dma_start3A_34] : memref<10240x128xf32, #tpu.memory_space<vmem_shared>> -> memref<640x128xf32, #tpu.memory_space<vmem_shared>>
      tpu.enqueue_dma source(%dma_start3A_35 : memref<640x128xf32, #tpu.memory_space<vmem_shared>>) target(%dma_start3A_33 : memref<640x128xf32, #tpu.memory_space<hbm>>) target_semaphore(%run_scoped3A : memref<!tpu.dma_semaphore, #tpu.memory_space<semaphore_mem>>)
      %dma_wait3A_36 = arith.constant 0 : i32
      %dma_wait3A_37 = tpu.memref_slice %arg6[%arg0, %mul3A_30, %dma_wait3A_36] : memref<2x10240x128xf32, #tpu.memory_space<hbm>> -> memref<1x640x128xf32, #tpu.memory_space<hbm>>
      %dma_wait3A_38 = tpu.memref_squeeze %dma_wait3A_37 : memref<1x640x128xf32, #tpu.memory_space<hbm>> -> memref<640x128xf32, #tpu.memory_space<hbm>>
      %dma_wait3A_39 = arith.constant 0 : i32
      %dma_wait3A_40 = tpu.memref_slice %arg7[%mul3A_28, %dma_wait3A_39] : memref<10240x128xf32, #tpu.memory_space<vmem_shared>> -> memref<640x128xf32, #tpu.memory_space<vmem_shared>>
      tpu.wait_dma2 semaphore(%run_scoped3A : memref<!tpu.dma_semaphore, #tpu.memory_space<semaphore_mem>>) src(%dma_wait3A_40 : memref<640x128xf32, #tpu.memory_space<vmem_shared>>) dst(%dma_wait3A_38 : memref<640x128xf32, #tpu.memory_space<hbm>>)
      tpu.yield
    }) : () -> ()
    return
  }
}

module attributes {stable_mosaic.version = 14 : i64} {
  func.func @_tc_mm_body(%arg0: i32, %arg1: memref<1000x128xf32, #tpu.memory_space<vmem>>, %arg2: memref<128x128xf32, #tpu.memory_space<vmem>>, %arg3: memref<1000x128xf32, #tpu.memory_space<vmem>>) attributes {dimension_semantics = [#tpu.dimension_semantics<arbitrary>], iteration_bounds = array<i64: 10>, scalar_prefetch = 0 : i64, scratch_operands = 0 : i64, tpu.core_type = #tpu.core_type<tc>, window_params = [{transform_indices = @transform_0, window_bounds = array<i64: 1000, 128>}, {pipeline_mode = #tpu.pipeline_mode<synchronous>, transform_indices = @transform_1, window_bounds = array<i64: 128, 128>}, {transform_indices = @transform_2, window_bounds = array<i64: 1000, 128>}]} {
    %get3A = arith.constant 0 : index
    %get3A_0 = arith.constant 0 : index
    %get3A_1 = vector.load %arg1[%get3A, %get3A_0] : memref<1000x128xf32, #tpu.memory_space<vmem>>, vector<1000x128xf32>
    %get3A_2 = arith.constant 0 : index
    %get3A_3 = arith.constant 0 : index
    %get3A_4 = vector.load %arg2[%get3A_2, %get3A_3] : memref<128x128xf32, #tpu.memory_space<vmem>>, vector<128x128xf32>
    %dot_general3A = arith.constant dense<0.000000e+00> : vector<1000x128xf32>
    %dot_general3A_5 = tpu.matmul %get3A_1, %get3A_4, %dot_general3A {dimension_numbers = #tpu.dot_dimension_numbers<[1], [0], [0], [1], [0, 0, 1, 1], [], []>, precision = #tpu.contract_precision<fp32>, transpose_lhs_hint = false} : vector<1000x128xf32>, vector<128x128xf32>, vector<1000x128xf32> -> vector<1000x128xf32>
    %swap3A = arith.constant 0 : index
    %swap3A_6 = arith.constant 0 : index
    %swap3A_7 = vector.load %arg3[%swap3A, %swap3A_6] : memref<1000x128xf32, #tpu.memory_space<vmem>>, vector<1000x128xf32>
    tpu.vector_store %arg3[%swap3A, %swap3A_6], %dot_general3A_5 {strides = array<i32>} : memref<1000x128xf32, #tpu.memory_space<vmem>>, vector<1000x128xf32>,
    return
  }
  func.func @transform_0(%arg0: i32) -> (i32, i32) {
    %c0_i32 = arith.constant 0 : i32
    %c0_i32_0 = arith.constant 0 : i32
    return %arg0, %c0_i32 : i32, i32
  }
  func.func @transform_1(%arg0: i32) -> (i32, i32) {
    %c0_i32 = arith.constant 0 : i32
    %c0_i32_0 = arith.constant 0 : i32
    %c0_i32_1 = arith.constant 0 : i32
    return %c0_i32, %c0_i32_0 : i32, i32
  }
  func.func @transform_2(%arg0: i32) -> (i32, i32) {
    %c0_i32 = arith.constant 0 : i32
    %c0_i32_0 = arith.constant 0 : i32
    return %arg0, %c0_i32 : i32, i32
  }
}

module attributes {stable_mosaic.version = 14 : i64} {
  func.func @_tc_first_body(%arg0: i32, %arg1: memref<2x1000x128xf32, #tpu.memory_space<vmem>>, %arg2: memref<1000x128xf32, #tpu.memory_space<vmem>>, %arg3: memref<1000x128xf32, #tpu.memory_space<vmem>>, %arg4: memref<1000x16xf32, #tpu.memory_space<vmem>>) attributes {dimension_semantics = [#tpu.dimension_semantics<arbitrary>], iteration_bounds = array<i64: 10>, scalar_prefetch = 0 : i64, scratch_operands = 0 : i64, tpu.core_type = #tpu.core_type<tc>, window_params = [{transform_indices = @transform_0, window_bounds = array<i64: 2, 1000, 128>}, {transform_indices = @transform_1, window_bounds = array<i64: 1000, 128>}, {transform_indices = @transform_2, window_bounds = array<i64: 1000, 128>}, {transform_indices = @transform_3, window_bounds = array<i64: 1000, 16>}]} {
    %get3A = arith.constant 0 : index
    %get3A_0 = arith.constant 0 : index
    %get3A_1 = arith.constant 0 : index
    %get3A_2 = vector.load %arg1[%get3A, %get3A_0, %get3A_1] : memref<2x1000x128xf32, #tpu.memory_space<vmem>>, vector<2x1000x128xf32>
    %slice3A = vector.extract_strided_slice %get3A_2 {offsets = [0, 0, 0], sizes = [1, 1000, 128], strides = [1, 1, 1]} : vector<2x1000x128xf32> to vector<1x1000x128xf32>
    %squeeze3A = vector.shape_cast %slice3A : vector<1x1000x128xf32> to vector<1000x128xf32>
    %slice3A_3 = vector.extract_strided_slice %squeeze3A {offsets = [0, 0], sizes = [1000, 1], strides = [1, 1]} : vector<1000x128xf32> to vector<1000x1xf32>
    %slice3A_4 = vector.extract_strided_slice %get3A_2 {offsets = [1, 0, 0], sizes = [1, 1000, 128], strides = [1, 1, 1]} : vector<2x1000x128xf32> to vector<1x1000x128xf32>
    %squeeze3A_5 = vector.shape_cast %slice3A_4 : vector<1x1000x128xf32> to vector<1000x128xf32>
    %slice3A_6 = vector.extract_strided_slice %squeeze3A_5 {offsets = [0, 0], sizes = [1000, 1], strides = [1, 1]} : vector<1000x128xf32> to vector<1000x1xf32>
    %add3A = arith.addf %slice3A_3, %slice3A_6 : vector<1000x1xf32>
    %add3A_7 = arith.constant 1.000000e+00 : f32
    %add3A_8 = vector.broadcast %add3A_7 : f32 to vector<1000x1xf32>
    %add3A_9 = arith.addf %add3A, %add3A_8 : vector<1000x1xf32>
    %rsqrt3A = math.rsqrt %add3A_9 : vector<1000x1xf32>
    %get3A_10 = arith.constant 0 : index
    %get3A_11 = arith.constant 0 : index
    %get3A_12 = vector.load %arg2[%get3A_10, %get3A_11] : memref<1000x128xf32, #tpu.memory_space<vmem>>, vector<1000x128xf32>
    %mul3A = vector.broadcast %rsqrt3A : vector<1000x1xf32> to vector<1000x128xf32>
    %mul3A_13 = arith.mulf %mul3A, %get3A_12 : vector<1000x128xf32>
    %swap3A = arith.constant 0 : index
    %swap3A_14 = arith.constant 0 : index
    %swap3A_15 = vector.load %arg3[%swap3A, %swap3A_14] : memref<1000x128xf32, #tpu.memory_space<vmem>>, vector<1000x128xf32>
    tpu.vector_store %arg3[%swap3A, %swap3A_14], %mul3A_13 {strides = array<i32>} : memref<1000x128xf32, #tpu.memory_space<vmem>>, vector<1000x128xf32>,
    %broadcast_in_dim3A = vector.shape_cast %rsqrt3A : vector<1000x1xf32> to vector<1000x1xf32>
    %broadcast_in_dim3A_16 = vector.broadcast %broadcast_in_dim3A : vector<1000x1xf32> to vector<1000x16xf32>
    %swap3A_17 = arith.constant 0 : index
    %swap3A_18 = arith.constant 0 : index
    %swap3A_19 = vector.load %arg4[%swap3A_17, %swap3A_18] : memref<1000x16xf32, #tpu.memory_space<vmem>>, vector<1000x16xf32>
    tpu.vector_store %arg4[%swap3A_17, %swap3A_18], %broadcast_in_dim3A_16 {strides = array<i32>} : memref<1000x16xf32, #tpu.memory_space<vmem>>, vector<1000x16xf32>,
    return
  }
  func.func @transform_0(%arg0: i32) -> (i32, i32, i32) {
    %c0_i32 = arith.constant 0 : i32
    %c0_i32_0 = arith.constant 0 : i32
    %c0_i32_1 = arith.constant 0 : i32
    return %c0_i32, %arg0, %c0_i32_0 : i32, i32, i32
  }
  func.func @transform_1(%arg0: i32) -> (i32, i32) {
    %c0_i32 = arith.constant 0 : i32
    %c0_i32_0 = arith.constant 0 : i32
    return %arg0, %c0_i32 : i32, i32
  }
  func.func @transform_2(%arg0: i32) -> (i32, i32) {
    %c0_i32 = arith.constant 0 : i32
    %c0_i32_0 = arith.constant 0 : i32
    return %arg0, %c0_i32 : i32, i32
  }
  func.func @transform_3(%arg0: i32) -> (i32, i32) {
    %c0_i32 = arith.constant 0 : i32
    %c0_i32_0 = arith.constant 0 : i32
    return %arg0, %c0_i32 : i32, i32
  }
}

module attributes {stable_mosaic.version = 14 : i64} {
  func.func @_tc_mid_body(%arg0: i32, %arg1: memref<2x1000x128xf32, #tpu.memory_space<vmem>>, %arg2: memref<1000x128xf32, #tpu.memory_space<vmem>>, %arg3: memref<1000x16xf32, #tpu.memory_space<vmem>>, %arg4: memref<1x128xf32, #tpu.memory_space<vmem>>, %arg5: memref<128x128xf32, #tpu.memory_space<vmem>>, %arg6: memref<1000x128xf32, #tpu.memory_space<vmem>>) attributes {dimension_semantics = [#tpu.dimension_semantics<arbitrary>], iteration_bounds = array<i64: 10>, scalar_prefetch = 0 : i64, scratch_operands = 0 : i64, tpu.core_type = #tpu.core_type<tc>, window_params = [{transform_indices = @transform_0, window_bounds = array<i64: 2, 1000, 128>}, {transform_indices = @transform_1, window_bounds = array<i64: 1000, 128>}, {transform_indices = @transform_2, window_bounds = array<i64: 1000, 16>}, {pipeline_mode = #tpu.pipeline_mode<synchronous>, transform_indices = @transform_3, window_bounds = array<i64: 1, 128>}, {pipeline_mode = #tpu.pipeline_mode<synchronous>, transform_indices = @transform_4, window_bounds = array<i64: 128, 128>}, {transform_indices = @transform_5, window_bounds = array<i64: 1000, 128>}]} {
    %get3A = arith.constant 0 : index
    %get3A_0 = arith.constant 0 : index
    %get3A_1 = vector.load %arg3[%get3A, %get3A_0] : memref<1000x16xf32, #tpu.memory_space<vmem>>, vector<1000x16xf32>
    %slice3A = vector.extract_strided_slice %get3A_1 {offsets = [0, 0], sizes = [1000, 1], strides = [1, 1]} : vector<1000x16xf32> to vector<1000x1xf32>
    %get3A_2 = arith.constant 0 : index
    %get3A_3 = arith.constant 0 : index
    %get3A_4 = arith.constant 0 : index
    %get3A_5 = vector.load %arg1[%get3A_2, %get3A_3, %get3A_4] : memref<2x1000x128xf32, #tpu.memory_space<vmem>>, vector<2x1000x128xf32>
    %slice3A_6 = vector.extract_strided_slice %get3A_5 {offsets = [0, 0, 0], sizes = [1, 1000, 128], strides = [1, 1, 1]} : vector<2x1000x128xf32> to vector<1x1000x128xf32>
    %squeeze3A = vector.shape_cast %slice3A_6 : vector<1x1000x128xf32> to vector<1000x128xf32>
    %slice3A_7 = vector.extract_strided_slice %get3A_5 {offsets = [1, 0, 0], sizes = [1, 1000, 128], strides = [1, 1, 1]} : vector<2x1000x128xf32> to vector<1x1000x128xf32>
    %squeeze3A_8 = vector.shape_cast %slice3A_7 : vector<1x1000x128xf32> to vector<1000x128xf32>
    %add3A = arith.addf %squeeze3A, %squeeze3A_8 : vector<1000x128xf32>
    %get3A_9 = arith.constant 0 : index
    %get3A_10 = arith.constant 0 : index
    %get3A_11 = vector.load %arg2[%get3A_9, %get3A_10] : memref<1000x128xf32, #tpu.memory_space<vmem>>, vector<1000x128xf32>
    %add3A_12 = arith.addf %add3A, %get3A_11 : vector<1000x128xf32>
    %mul3A = vector.broadcast %slice3A : vector<1000x1xf32> to vector<1000x128xf32>
    %mul3A_13 = arith.mulf %mul3A, %add3A_12 : vector<1000x128xf32>
    %get3A_14 = arith.constant 0 : index
    %get3A_15 = arith.constant 0 : index
    %get3A_16 = vector.load %arg4[%get3A_14, %get3A_15] : memref<1x128xf32, #tpu.memory_space<vmem>>, vector<1x128xf32>
    %add3A_17 = vector.broadcast %get3A_16 : vector<1x128xf32> to vector<1000x128xf32>
    %add3A_18 = arith.addf %mul3A_13, %add3A_17 : vector<1000x128xf32>
    %max3A = arith.constant 0.000000e+00 : f32
    %max3A_19 = vector.broadcast %max3A : f32 to vector<1000x128xf32>
    %max3A_20 = arith.maximumf %add3A_18, %max3A_19 : vector<1000x128xf32>
    %get3A_21 = arith.constant 0 : index
    %get3A_22 = arith.constant 0 : index
    %get3A_23 = vector.load %arg5[%get3A_21, %get3A_22] : memref<128x128xf32, #tpu.memory_space<vmem>>, vector<128x128xf32>
    %dot_general3A = arith.constant dense<0.000000e+00> : vector<1000x128xf32>
    %dot_general3A_24 = tpu.matmul %max3A_20, %get3A_23, %dot_general3A {dimension_numbers = #tpu.dot_dimension_numbers<[1], [0], [0], [1], [0, 0, 1, 1], [], []>, precision = #tpu.contract_precision<fp32>, transpose_lhs_hint = false} : vector<1000x128xf32>, vector<128x128xf32>, vector<1000x128xf32> -> vector<1000x128xf32>
    %mul3A_25 = vector.broadcast %slice3A : vector<1000x1xf32> to vector<1000x128xf32>
    %mul3A_26 = arith.mulf %mul3A_25, %dot_general3A_24 : vector<1000x128xf32>
    %swap3A = arith.constant 0 : index
    %swap3A_27 = arith.constant 0 : index
    %swap3A_28 = vector.load %arg6[%swap3A, %swap3A_27] : memref<1000x128xf32, #tpu.memory_space<vmem>>, vector<1000x128xf32>
    tpu.vector_store %arg6[%swap3A, %swap3A_27], %mul3A_26 {strides = array<i32>} : memref<1000x128xf32, #tpu.memory_space<vmem>>, vector<1000x128xf32>,
    return
  }
  func.func @transform_0(%arg0: i32) -> (i32, i32, i32) {
    %c0_i32 = arith.constant 0 : i32
    %c0_i32_0 = arith.constant 0 : i32
    %c0_i32_1 = arith.constant 0 : i32
    return %c0_i32, %arg0, %c0_i32_0 : i32, i32, i32
  }
  func.func @transform_1(%arg0: i32) -> (i32, i32) {
    %c0_i32 = arith.constant 0 : i32
    %c0_i32_0 = arith.constant 0 : i32
    return %arg0, %c0_i32 : i32, i32
  }
  func.func @transform_2(%arg0: i32) -> (i32, i32) {
    %c0_i32 = arith.constant 0 : i32
    %c0_i32_0 = arith.constant 0 : i32
    return %arg0, %c0_i32 : i32, i32
  }
  func.func @transform_3(%arg0: i32) -> (i32, i32) {
    %c0_i32 = arith.constant 0 : i32
    %c0_i32_0 = arith.constant 0 : i32
    %c0_i32_1 = arith.constant 0 : i32
    return %c0_i32, %c0_i32_0 : i32, i32
  }
  func.func @transform_4(%arg0: i32) -> (i32, i32) {
    %c0_i32 = arith.constant 0 : i32
    %c0_i32_0 = arith.constant 0 : i32
    %c0_i32_1 = arith.constant 0 : i32
    return %c0_i32, %c0_i32_0 : i32, i32
  }
  func.func @transform_5(%arg0: i32) -> (i32, i32) {
    %c0_i32 = arith.constant 0 : i32
    %c0_i32_0 = arith.constant 0 : i32
    return %arg0, %c0_i32 : i32, i32
  }
}

module attributes {stable_mosaic.version = 14 : i64} {
  func.func @_tc_final_body(%arg0: i32, %arg1: memref<2x1000x128xf32, #tpu.memory_space<vmem>>, %arg2: memref<1000x128xf32, #tpu.memory_space<vmem>>, %arg3: memref<1000x16xf32, #tpu.memory_space<vmem>>, %arg4: memref<1x128xf32, #tpu.memory_space<vmem>>, %arg5: memref<1x1x1000xi32, #tpu.memory_space<vmem>>, %arg6: memref<128x128xf32, #tpu.memory_space<vmem>>, %arg7: memref<1x128xf32, #tpu.memory_space<vmem>>, %arg8: memref<64x128xf32, #tpu.memory_space<vmem>>, %arg9: memref<64x128xf32, #tpu.memory_space<vmem>>, %arg10: memref<64x128xf32, #tpu.memory_space<vmem>>) attributes {dimension_semantics = [#tpu.dimension_semantics<arbitrary>], iteration_bounds = array<i64: 10>, scalar_prefetch = 0 : i64, scratch_operands = 2 : i64, tpu.core_type = #tpu.core_type<tc>, window_params = [{transform_indices = @transform_0, window_bounds = array<i64: 2, 1000, 128>}, {transform_indices = @transform_1, window_bounds = array<i64: 1000, 128>}, {transform_indices = @transform_2, window_bounds = array<i64: 1000, 16>}, {pipeline_mode = #tpu.pipeline_mode<synchronous>, transform_indices = @transform_3, window_bounds = array<i64: 1, 128>}, {transform_indices = @transform_4, window_bounds = array<i64: 1, 1, 1000>}, {pipeline_mode = #tpu.pipeline_mode<synchronous>, transform_indices = @transform_5, window_bounds = array<i64: 128, 128>}, {pipeline_mode = #tpu.pipeline_mode<synchronous>, transform_indices = @transform_6, window_bounds = array<i64: 1, 128>}, {pipeline_mode = #tpu.pipeline_mode<synchronous>, transform_indices = @transform_7, window_bounds = array<i64: 64, 128>}]} {
    %get3A = arith.constant 0 : index
    %get3A_0 = arith.constant 0 : index
    %get3A_1 = vector.load %arg3[%get3A, %get3A_0] : memref<1000x16xf32, #tpu.memory_space<vmem>>, vector<1000x16xf32>
    %slice3A = vector.extract_strided_slice %get3A_1 {offsets = [0, 0], sizes = [1000, 1], strides = [1, 1]} : vector<1000x16xf32> to vector<1000x1xf32>
    %get3A_2 = arith.constant 0 : index
    %get3A_3 = arith.constant 0 : index
    %get3A_4 = arith.constant 0 : index
    %get3A_5 = vector.load %arg1[%get3A_2, %get3A_3, %get3A_4] : memref<2x1000x128xf32, #tpu.memory_space<vmem>>, vector<2x1000x128xf32>
    %slice3A_6 = vector.extract_strided_slice %get3A_5 {offsets = [0, 0, 0], sizes = [1, 1000, 128], strides = [1, 1, 1]} : vector<2x1000x128xf32> to vector<1x1000x128xf32>
    %squeeze3A = vector.shape_cast %slice3A_6 : vector<1x1000x128xf32> to vector<1000x128xf32>
    %slice3A_7 = vector.extract_strided_slice %get3A_5 {offsets = [1, 0, 0], sizes = [1, 1000, 128], strides = [1, 1, 1]} : vector<2x1000x128xf32> to vector<1x1000x128xf32>
    %squeeze3A_8 = vector.shape_cast %slice3A_7 : vector<1x1000x128xf32> to vector<1000x128xf32>
    %add3A = arith.addf %squeeze3A, %squeeze3A_8 : vector<1000x128xf32>
    %get3A_9 = arith.constant 0 : index
    %get3A_10 = arith.constant 0 : index
    %get3A_11 = vector.load %arg2[%get3A_9, %get3A_10] : memref<1000x128xf32, #tpu.memory_space<vmem>>, vector<1000x128xf32>
    %add3A_12 = arith.addf %add3A, %get3A_11 : vector<1000x128xf32>
    %mul3A = vector.broadcast %slice3A : vector<1000x1xf32> to vector<1000x128xf32>
    %mul3A_13 = arith.mulf %mul3A, %add3A_12 : vector<1000x128xf32>
    %get3A_14 = arith.constant 0 : index
    %get3A_15 = arith.constant 0 : index
    %get3A_16 = vector.load %arg4[%get3A_14, %get3A_15] : memref<1x128xf32, #tpu.memory_space<vmem>>, vector<1x128xf32>
    %add3A_17 = vector.broadcast %get3A_16 : vector<1x128xf32> to vector<1000x128xf32>
    %add3A_18 = arith.addf %mul3A_13, %add3A_17 : vector<1000x128xf32>
    %max3A = arith.constant 0.000000e+00 : f32
    %max3A_19 = vector.broadcast %max3A : f32 to vector<1000x128xf32>
    %max3A_20 = arith.maximumf %add3A_18, %max3A_19 : vector<1000x128xf32>
    %get3A_21 = arith.constant 0 : index
    %get3A_22 = arith.constant 0 : index
    %get3A_23 = arith.constant 0 : index
    %get3A_24 = vector.load %arg5[%get3A_21, %get3A_22, %get3A_23] : memref<1x1x1000xi32, #tpu.memory_space<vmem>>, vector<1x1x1000xi32>
    %get3A_25 = vector.shape_cast %get3A_24 : vector<1x1x1000xi32> to vector<1000xi32>
    %iota3A = tpu.iota {dimensions = array<i32: 0>} : vector<64x1000xi32>
    %broadcast_in_dim3A = vector.shape_cast %get3A_25 : vector<1000xi32> to vector<1x1000xi32>
    %eq3A = vector.broadcast %broadcast_in_dim3A : vector<1x1000xi32> to vector<64x1000xi32>
    %eq3A_26 = arith.cmpi eq, %iota3A, %eq3A : vector<64x1000xi32>
    %jit3A = arith.constant 1.000000e+00 : f32
    %jit3A_27 = arith.constant 0.000000e+00 : f32
    %broadcast_in_dim3A_28 = vector.broadcast %jit3A : f32 to vector<64x1000xf32>
    %broadcast_in_dim3A_29 = vector.broadcast %jit3A_27 : f32 to vector<64x1000xf32>
    %select_n3A = arith.select %eq3A_26, %broadcast_in_dim3A_28, %broadcast_in_dim3A_29 : vector<64x1000xi1>, vector<64x1000xf32>
    %dot_general3A = arith.constant dense<0.000000e+00> : vector<64x128xf32>
    %dot_general3A_30 = tpu.matmul %select_n3A, %max3A_20, %dot_general3A {dimension_numbers = #tpu.dot_dimension_numbers<[1], [0], [0], [1], [0, 0, 1, 1], [], []>, precision = #tpu.contract_precision<fp32>, transpose_lhs_hint = false} : vector<64x1000xf32>, vector<1000x128xf32>, vector<64x128xf32> -> vector<64x128xf32>
    %reduce_sum3A = arith.constant dense<0.000000e+00> : vector<64xf32>
    %reduce_sum3A_31 = vector.multi_reduction <add>, %select_n3A, %reduce_sum3A [1] : vector<64x1000xf32> to vector<64xf32>
    %broadcast_in_dim3A_32 = vector.shape_cast %reduce_sum3A_31 : vector<64xf32> to vector<64x1xf32>
    %broadcast_in_dim3A_33 = vector.shape_cast %broadcast_in_dim3A_32 : vector<64x1xf32> to vector<64x1xf32>
    %broadcast_in_dim3A_34 = vector.broadcast %broadcast_in_dim3A_33 : vector<64x1xf32> to vector<64x128xf32>
    %eq3A_35 = arith.constant 0 : i32
    %eq3A_36 = arith.cmpi eq, %arg0, %eq3A_35 : i32
    %convert_element_type3A = arith.extui %eq3A_36 : i1 to i32
    %cond3A = arith.constant 0 : i32
    %cond3A_37 = arith.cmpi ne, %convert_element_type3A, %cond3A : i32
    scf.if %cond3A_37 {
      %swap3A = arith.constant 0 : index
      %swap3A_47 = arith.constant 0 : index
      %swap3A_48 = vector.load %arg9[%swap3A, %swap3A_47] : memref<64x128xf32, #tpu.memory_space<vmem>>, vector<64x128xf32>
      tpu.vector_store %arg9[%swap3A, %swap3A_47], %dot_general3A_30 {strides = array<i32>} : memref<64x128xf32, #tpu.memory_space<vmem>>, vector<64x128xf32>,
      %swap3A_49 = arith.constant 0 : index
      %swap3A_50 = arith.constant 0 : index
      %swap3A_51 = vector.load %arg10[%swap3A_49, %swap3A_50] : memref<64x128xf32, #tpu.memory_space<vmem>>, vector<64x128xf32>
      tpu.vector_store %arg10[%swap3A_49, %swap3A_50], %broadcast_in_dim3A_34 {strides = array<i32>} : memref<64x128xf32, #tpu.memory_space<vmem>>, vector<64x128xf32>,
    } else {
    }
    %gt3A = arith.constant 0 : i32
    %gt3A_38 = arith.cmpi sgt, %arg0, %gt3A : i32
    %convert_element_type3A_39 = arith.extui %gt3A_38 : i1 to i32
    %cond3A_40 = arith.constant 0 : i32
    %cond3A_41 = arith.cmpi ne, %convert_element_type3A_39, %cond3A_40 : i32
    scf.if %cond3A_41 {
      %get3A_47 = arith.constant 0 : index
      %get3A_48 = arith.constant 0 : index
      %get3A_49 = vector.load %arg9[%get3A_47, %get3A_48] : memref<64x128xf32, #tpu.memory_space<vmem>>, vector<64x128xf32>
      %add3A_50 = arith.addf %get3A_49, %dot_general3A_30 : vector<64x128xf32>
      %swap3A = arith.constant 0 : index
      %swap3A_51 = arith.constant 0 : index
      %swap3A_52 = vector.load %arg9[%swap3A, %swap3A_51] : memref<64x128xf32, #tpu.memory_space<vmem>>, vector<64x128xf32>
      tpu.vector_store %arg9[%swap3A, %swap3A_51], %add3A_50 {strides = array<i32>} : memref<64x128xf32, #tpu.memory_space<vmem>>, vector<64x128xf32>,
      %get3A_53 = arith.constant 0 : index
      %get3A_54 = arith.constant 0 : index
      %get3A_55 = vector.load %arg10[%get3A_53, %get3A_54] : memref<64x128xf32, #tpu.memory_space<vmem>>, vector<64x128xf32>
      %add3A_56 = arith.addf %get3A_55, %broadcast_in_dim3A_34 : vector<64x128xf32>
      %swap3A_57 = arith.constant 0 : index
      %swap3A_58 = arith.constant 0 : index
      %swap3A_59 = vector.load %arg10[%swap3A_57, %swap3A_58] : memref<64x128xf32, #tpu.memory_space<vmem>>, vector<64x128xf32>
      tpu.vector_store %arg10[%swap3A_57, %swap3A_58], %add3A_56 {strides = array<i32>} : memref<64x128xf32, #tpu.memory_space<vmem>>, vector<64x128xf32>,
    } else {
    }
    %eq3A_42 = arith.constant 9 : i32
    %eq3A_43 = arith.cmpi eq, %arg0, %eq3A_42 : i32
    %convert_element_type3A_44 = arith.extui %eq3A_43 : i1 to i32
    %cond3A_45 = arith.constant 0 : i32
    %cond3A_46 = arith.cmpi ne, %convert_element_type3A_44, %cond3A_45 : i32
    scf.if %cond3A_46 {
      %get3A_47 = arith.constant 0 : index
      %get3A_48 = arith.constant 0 : index
      %get3A_49 = vector.load %arg9[%get3A_47, %get3A_48] : memref<64x128xf32, #tpu.memory_space<vmem>>, vector<64x128xf32>
      %get3A_50 = arith.constant 0 : index
      %get3A_51 = arith.constant 0 : index
      %get3A_52 = vector.load %arg10[%get3A_50, %get3A_51] : memref<64x128xf32, #tpu.memory_space<vmem>>, vector<64x128xf32>
      %max3A_53 = arith.constant 1.000000e+00 : f32
      %max3A_54 = vector.broadcast %max3A_53 : f32 to vector<64x128xf32>
      %max3A_55 = arith.maximumf %get3A_52, %max3A_54 : vector<64x128xf32>
      %div3A = arith.divf %get3A_49, %max3A_55 : vector<64x128xf32>
      %get3A_56 = arith.constant 0 : index
      %get3A_57 = arith.constant 0 : index
      %get3A_58 = vector.load %arg6[%get3A_56, %get3A_57] : memref<128x128xf32, #tpu.memory_space<vmem>>, vector<128x128xf32>
      %dot_general3A_59 = arith.constant dense<0.000000e+00> : vector<64x128xf32>
      %dot_general3A_60 = tpu.matmul %div3A, %get3A_58, %dot_general3A_59 {dimension_numbers = #tpu.dot_dimension_numbers<[1], [0], [0], [1], [0, 0, 1, 1], [], []>, precision = #tpu.contract_precision<fp32>, transpose_lhs_hint = false} : vector<64x128xf32>, vector<128x128xf32>, vector<64x128xf32> -> vector<64x128xf32>
      %get3A_61 = arith.constant 0 : index
      %get3A_62 = arith.constant 0 : index
      %get3A_63 = vector.load %arg7[%get3A_61, %get3A_62] : memref<1x128xf32, #tpu.memory_space<vmem>>, vector<1x128xf32>
      %add3A_64 = vector.broadcast %get3A_63 : vector<1x128xf32> to vector<64x128xf32>
      %add3A_65 = arith.addf %dot_general3A_60, %add3A_64 : vector<64x128xf32>
      %swap3A = arith.constant 0 : index
      %swap3A_66 = arith.constant 0 : index
      %swap3A_67 = vector.load %arg8[%swap3A, %swap3A_66] : memref<64x128xf32, #tpu.memory_space<vmem>>, vector<64x128xf32>
      tpu.vector_store %arg8[%swap3A, %swap3A_66], %add3A_65 {strides = array<i32>} : memref<64x128xf32, #tpu.memory_space<vmem>>, vector<64x128xf32>,
    } else {
    }
    return
  }
  func.func @transform_0(%arg0: i32) -> (i32, i32, i32) {
    %c0_i32 = arith.constant 0 : i32
    %c0_i32_0 = arith.constant 0 : i32
    %c0_i32_1 = arith.constant 0 : i32
    return %c0_i32, %arg0, %c0_i32_0 : i32, i32, i32
  }
  func.func @transform_1(%arg0: i32) -> (i32, i32) {
    %c0_i32 = arith.constant 0 : i32
    %c0_i32_0 = arith.constant 0 : i32
    return %arg0, %c0_i32 : i32, i32
  }
  func.func @transform_2(%arg0: i32) -> (i32, i32) {
    %c0_i32 = arith.constant 0 : i32
    %c0_i32_0 = arith.constant 0 : i32
    return %arg0, %c0_i32 : i32, i32
  }
  func.func @transform_3(%arg0: i32) -> (i32, i32) {
    %c0_i32 = arith.constant 0 : i32
    %c0_i32_0 = arith.constant 0 : i32
    %c0_i32_1 = arith.constant 0 : i32
    return %c0_i32, %c0_i32_0 : i32, i32
  }
  func.func @transform_4(%arg0: i32) -> (i32, i32, i32) {
    %c0_i32 = arith.constant 0 : i32
    %c0_i32_0 = arith.constant 0 : i32
    %c0_i32_1 = arith.constant 0 : i32
    return %arg0, %c0_i32, %c0_i32_0 : i32, i32, i32
  }
  func.func @transform_5(%arg0: i32) -> (i32, i32) {
    %c0_i32 = arith.constant 0 : i32
    %c0_i32_0 = arith.constant 0 : i32
    %c0_i32_1 = arith.constant 0 : i32
    return %c0_i32, %c0_i32_0 : i32, i32
  }
  func.func @transform_6(%arg0: i32) -> (i32, i32) {
    %c0_i32 = arith.constant 0 : i32
    %c0_i32_0 = arith.constant 0 : i32
    %c0_i32_1 = arith.constant 0 : i32
    return %c0_i32, %c0_i32_0 : i32, i32
  }
  func.func @transform_7(%arg0: i32) -> (i32, i32) {
    %c0_i32 = arith.constant 0 : i32
    %c0_i32_0 = arith.constant 0 : i32
    %c0_i32_1 = arith.constant 0 : i32
    return %c0_i32, %c0_i32_0 : i32, i32
  }
}

</mosaic_0001>

<sc_bundles>
// kernel: kernel.11.cloned.1.call-start
scs
__scs_entry_jumppad:
0x0: {  	(pc) =	sbr.rel $0x88, $3  }
0x1: {  	(tag) =	ssettag $0x0;
	lr =	simm.s32 $0x1  }
0x2: {  	[smem:$0x3F96] =	sst lr;
	_ =	strace $0xD0000000  }
0x3: {  	_ = 	snop  }
0x4: {  	_ = 	snop  }
0x5: {  	_ = 	snop  }
0x6: {  	_ = 	snop  }
0x7: {  	_ = 	snop  }
__scs_overlays_trampoline_lowered:
0x8: {  	[smem:$0x3FA5] =	sst s0  }
0x9: {  	[smem:$0x3FA6] =	sst s1  }
0xa: {  	[smem:$0x3FA7] =	sst s2  }
0xb: {  	[smem:$0x3FA8] =	sst s3  }
0xc: {  	[smem:$0x3FA9] =	sst s4  }
0xd: {  	[smem:$0x3FAA] =	sst s5  }
0xe: {  	[smem:$0x3FAB] =	sst s6  }
0xf: {  	[smem:$0x3FAC] =	sst s7  }
0x10: {  	[smem:$0x3FAD] =	sst s8  }
0x11: {  	[smem:$0x3FAE] =	sst s9;
	s0 =	simm.s32 @!p0 $0x0  }
0x12: {  	s1 =	sld [smem:$0x3F94];
	s0 =	simm.s32 @p0 $0x1  }
0x13: {  	[smem:$0x3FAF] =	sst s0;
	s0 =	simm.s32 @!p1 $0x0  }
0x14: {  	s2 =	sld [smem:$0x3F93];
	s0 =	simm.s32 @p1 $0x1  }
0x15: {  	[smem:$0x3FB0] =	sst s0;
	s0 =	simm.s32 @!p2 $0x0  }
0x16: {  	s3 =	sld [smem:$0x3FDB];
	s0 =	simm.s32 @p2 $0x1  }
0x17: {  	s4 =	simm.s32 $0x1BF5;
	[smem:$0x3FB2] =	sst s0  }
0x18: {  	s0 =	sld [smem:$0x3F95];
	_ =	swait.ge [sflag:s4], $0x0  }
0x19: {  	s7 =	sld [smem:$0x3F96]  }
0x1a: {  	s8 =	sadd.s32 $0xFFFFE003, lr  }
0x1b: {  	s9 =	sadd.s32 $0xFFFFFEF7, lr;
	s5 =	simm.s32 $0xFFFFFFFF;
	p2 =	slt.u32 s8, $0xFFFFF086  }
0x1c: {  	p1 =	slt.u32 s9, $0xF7A;
	s5 =	simm.s32 @!p2 $0x0  }
0x1d: {  	s5 =	simm.s32 @p1 $0x1;
	p0 =	seq.s32 s7, s2  }
0x1e: {  	s7 =	smul.u32 @!p0 $0xF7A, s2;
	p2 =	seq.s32 @!p0 s5, $0x0  }
0x1f: {  	s9 =	smul.u32 $0xF7A, s1;
	s8 =	simm.s32 @!p0 $0x1BF5;
	p2 =	por !p2, p0  }
0x20: {  	[sflag:s8] =	ssyncset.s32 @!p0 $0xFFFFF086;
	s6 =	sadd.s32 @!p0 s3, s7;
	s7 =	simm.s32 @!p0 $0x108  }
0x21: {  	s3 =	sadd.s32 s3, s9;
	s6 =	sadd.s32 @!p0 $0x88, s6;
	s7 =	simm.s32 @p2 $0x1082  }
0x22: {  	[simem:s7], [sflag:s8] =	dma.local @!p0 [hbm:s6], $0xF7A  }
0x23: {  	s9 =	sor.u32 $0xD0000000, s2;
	s6 =	simm.s32 $0x108;
	_ =	swait.ge @!p0 [sflag:s8], $0x0  }
0x24: {  	s3 =	sadd.s32 $0x88, s3;
	s6 =	simm.s32 @!p1 $0x1082;
	[sflag:s4] =	ssyncset.s32 $0xFFFFF086  }
0x25: {  	[simem:s6], [sflag:s4] =	dma.local [hbm:s3], $0xF7A  }
0x26: {  	[smem:$0x3F96] =	sst s1;
	(tag) =	ssettag s2;
	_ =	strace s9  }
0x27: {  	s1 =	sld [smem:$0x3FA6]  }
0x28: {  	s2 =	sld [smem:$0x3FA7]  }
0x29: {  	s4 =	sld [smem:$0x3FA9]  }
0x2a: {  	p0 =	seq.s32 s5, $0x0;
	s5 =	sld [smem:$0x3FAA]  }
0x2b: {  	s6 =	sld [smem:$0x3FAB]  }
0x2c: {  	s7 =	sld [smem:$0x3FAC]  }
0x2d: {  	s3 =	simm.s32 $0x108;
	s8 =	sld [smem:$0x3FAD]  }
0x2e: {  	s3 =	simm.s32 @!p0 $0x1082;
	s9 =	sld [smem:$0x3FAE]  }
0x2f: {  	lr =	sadd.s32 s0, s3;
	s0 =	sld [smem:$0x3FA5]  }
0x30: {  	s3 =	sld [smem:$0x3FA8]  }
0x31: {  	[smem:$0x3FB1] =	sst s10  }
0x32: {  	s10 =	sld [smem:$0x3FAF];
	_ =	sdelay $0x3  }
0x33: {  	p0 =	seq.s32 s10, $0x1;
	s10 =	sld [smem:$0x3FB1];
	_ =	sdelay $0x3  }
0x34: {  	[smem:$0x3FB1] =	sst s10  }
0x35: {  	s10 =	sld [smem:$0x3FB0];
	_ =	sdelay $0x3  }
0x36: {  	p1 =	seq.s32 s10, $0x1;
	s10 =	sld [smem:$0x3FB1];
	_ =	sdelay $0x3  }
0x37: {  	[smem:$0x3FB1] =	sst s10  }
0x38: {  	s10 =	sld [smem:$0x3FB2]  }
0x39: {  	_ = 	snop;
	(pc) =	sbr.ind lr, $3  }
0x3a: {  	_ = 	snop  }
0x3b: {  	_ = 	snop  }
0x3c: {  	p2 =	seq.s32 s10, $0x1;
	s10 =	sld [smem:$0x3FB1]  }
0x3d: {  	_ =	shalt  }
0x3e: {  	_ =	shalt  }
0x3f: {  	_ =	shalt  }
0x40: {  	_ =	shalt  }
0x41: {  	_ =	shalt  }
0x42: {  	_ =	shalt  }
0x43: {  	_ =	shalt  }
0x44: {  	_ =	shalt  }
0x45: {  	_ =	shalt  }
0x46: {  	_ =	shalt  }
0x47: {  	_ =	shalt  }
0x48: {  	_ =	shalt  }
0x49: {  	_ =	shalt  }
0x4a: {  	_ =	shalt  }
0x4b: {  	_ =	shalt  }
0x4c: {  	_ =	shalt  }
0x4d: {  	_ =	shalt  }
0x4e: {  	_ =	shalt  }
0x4f: {  	_ =	shalt  }
0x50: {  	_ =	shalt  }
0x51: {  	_ =	shalt  }
0x52: {  	_ =	shalt  }
0x53: {  	_ =	shalt  }
0x54: {  	_ =	shalt  }
0x55: {  	_ =	shalt  }
0x56: {  	_ =	shalt  }
0x57: {  	_ =	shalt  }
0x58: {  	_ =	shalt  }
0x59: {  	_ =	shalt  }
0x5a: {  	_ =	shalt  }
0x5b: {  	_ =	shalt  }
0x5c: {  	_ =	shalt  }
0x5d: {  	_ =	shalt  }
0x5e: {  	_ =	shalt  }
0x5f: {  	_ =	shalt  }
0x60: {  	_ =	shalt  }
0x61: {  	_ =	shalt  }
0x62: {  	_ =	shalt  }
0x63: {  	_ =	shalt  }
0x64: {  	_ =	shalt  }
0x65: {  	_ =	shalt  }
0x66: {  	_ =	shalt  }
0x67: {  	_ =	shalt  }
0x68: {  	_ =	shalt  }
0x69: {  	_ =	shalt  }
0x6a: {  	_ =	shalt  }
0x6b: {  	_ =	shalt  }
0x6c: {  	_ =	shalt  }
0x6d: {  	_ =	shalt  }
0x6e: {  	_ =	shalt  }
0x6f: {  	_ =	shalt  }
0x70: {  	_ =	shalt  }
0x71: {  	_ =	shalt  }
0x72: {  	_ =	shalt  }
0x73: {  	_ =	shalt  }
0x74: {  	_ =	shalt  }
0x75: {  	_ =	shalt  }
0x76: {  	_ =	shalt  }
0x77: {  	_ =	shalt  }
0x78: {  	_ =	shalt  }
0x79: {  	_ =	shalt  }
0x7a: {  	_ =	shalt  }
0x7b: {  	_ =	shalt  }
0x7c: {  	_ =	shalt  }
0x7d: {  	_ =	shalt  }
0x7e: {  	_ =	shalt  }
0x7f: {  	_ =	shalt  }
0x80: {  	_ =	shalt  }
0x81: {  	_ =	shalt  }
0x82: {  	_ =	shalt  }
0x83: {  	_ =	shalt  }
0x84: {  	_ =	shalt  }
0x85: {  	_ =	shalt  }
0x86: {  	_ =	shalt  }
0x87: {  	_ =	shalt  }
.Lfunc_end0:
.L_simem_size_0:
called_computation_lowered:
.L_overlay_start_0:
0x88: {  	s2 =	sld [smem:$0x3FD9]  }
0x89: {  	s3 =	sld [smem:$0x3FFE];
	_ =	sdelay $0x1  }
0x8a: {  	s1 =	srdreg.scid  }
0x8b: {  	s0 =	sand.u32 $0x1, s1  }
0x8c: {  	s16 =	sshll.u32 s0, $0xA;
	s2 =	sadd.s32 s3, s2  }
0x8d: {  	s2 =	sadd.s32 s2, s16  }
0x8e: {  	[smem:$0x3FBD] =	sst s2  }
0x8f: {  	_ = 	snop  }
0x90: {  	(tm) =	ssettm $0x1  }
0x91: {  	s17 =	sld [smem:$0x3FFB];
	_ =	sdelay $0x3  }
0x92: {  	_ =	strace s17  }
0x93: {  	s2 =	sld [smem:$0x3FFC];
	_ =	sdelay $0x3  }
0x94: {  	_ =	strace s2  }
0x95: {  	s2 =	sld [smem:$0x3FFD];
	_ =	sdelay $0x3  }
0x96: {  	_ =	strace s2  }
0x97: {  	_ =	strace $0x8FFFFFFF  }
0x98: {  	s18 =	sld [smem:$0x3FDB];
	_ =	sdelay $0x1  }
0x99: {  	s19 =	simm.s32 $_scs_section_size  }
0x9a: {  	s4 =	simm.s32 $_size__tile_overlayer_lowered;
	s5 =	simm.s32 $_tile_overlayer_lowered  }
0x9b: {  	s22 =	simm.s32 $0x1BFF;
	s21 =	sshll.u32 s5, $0x1;
	s2 =	sadd.s32 s19, s18  }
0x9c: {  	s6 =	simm.s32 $0x0;
	s20 =	sshll.u32 s4, $0x1;
	s4 =	sadd.s32 s21, s2  }
0x9d: {  	[timem:s6], [sflag:s22] =	dma.local [hbm:s4], s20  }
0x9e: {  	_ =	swait.ge [sflag:s22], s20  }
0x9f: {  	s3 =	ssub.s32 $0x0, s20;
	[sflag:s22] =	ssyncset.done $0x0  }
0xa0: {  	[sflag:s22] =	ssyncadd.s32 s3;
	_ =	sdelay $0x1  }
0xa1: {  	s23 =	simm.s32 $0x1B8B  }
0xa2: {  	_ =	swait.ge [sflag:s23], $0x1  }
0xa3: {  	[sflag:s23] =	ssyncset.done $0x0  }
0xa4: {  	s25 =	simm.s32 $0x1B8E;
	s24 =	sld [smem:$0x3FFE];
	[sflag:s23] =	ssyncadd.s32 $0xFFFFFFFF  }
0xa5: {  	s26 =	simm.s32 $execute0_lowered;
	[smem:$0x3FD2] =	sst s25  }
0xa6: {  	s4 =	sshll.u32 s26, $0x1;
	_ =	strace $0x80000046;
	[dreg:$0x1] =	wrdreg $0xFFFFFFFF  }
0xa7: {  	s28 =	simm.s32 $_size_execute0_lowered;
	s2 =	sadd.s32 s2, s4;
	[dreg:$0x0] =	wrdreg $0x0  }
0xa8: {  	s4 =	sshll.u32 s28, $0x1;
	[dreg:$0x2] =	wrdreg s2  }
0xa9: {  	[dreg:$0x3] =	wrdreg s4  }
0xaa: {  	[dreg:$0x4] =	wrdreg $0xC0  }
0xab: {  	_ =	task [dreg:s6], $0x5FFFF  }
0xac: {  	[dreg:$0x1] =	wrdreg $0xFFFFFFFF  }
0xad: {  	[dreg:$0x0] =	wrdreg $0x60  }
0xae: {  	[dreg:$0x2] =	wrdreg s24  }
0xaf: {  	[dreg:$0x3] =	wrdreg $0x0  }
0xb0: {  	[dreg:$0x4] =	wrdreg $0x9  }
0xb1: {  	_ =	task.clear_ibuf [dreg:s6], $0x5FFFF;
	_ =	strace $0x90000046  }
0xb2: {  	s29 =	simm.s32 $0x9;
	_ =	strace $0x80000048  }
0xb3: {  	_ =	swait.ge [sflag:s29], $0x1  }
0xb4: {  	[sflag:s29] =	ssyncadd.s32 $0xFFFFFFFF  }
0xb5: {  	_ =	strace $0x90000048  }
0xb6: {  	_ =	sfence  }
0xb7: {  	s30 =	sld [smem:$0x0];
	_ =	sdelay $0x2  }
0xb8: {  	s31 =	sshll.u32 s1, $0xD;
	s1 =	sshrl.u32 s1, $0x2  }
0xb9: {  	s3 =	sand.u32 $0x4000, s31;
	s1 =	sadd.s32 s1, s30  }
0xba: {  	s0 =	sor.u32 s3, s0;
	s1 =	sshll.u32 s1, $0x11  }
0xbb: {  	s0 =	sor.u32 s1, s0  }
0xbc: {  	s0 =	sadd.s32 $0x8F2B, s0  }
0xbd: {  	[sflag:s0] =	ssyncadd.remote.s32 $0x1  }
0xbe: {  	_ =	sfence.sel $0xFFFF  }
0xbf: {  	[dreg:$0x0] =	wrdreg $0xFFFFFFFF;
	(pc) =	sbr.abs _section_cstart, $3  }
0xc0: {  	[dreg:$0x1] =	wrdreg $0xFFFFFFFF  }
0xc1: {  	_ =	task.clear_ibuf [dreg:s6], $0x2FFFF;
	_ =	strace $0x9FFFFFFF  }
0xc2: {  	(tm) =	ssettm $0x7FFFFFFF  }
0xc3: {  	_ =	shalt  }
tec
execute0_lowered:
.L_overlay_start_1:
0x0: {  	(tag) =	ssettag $0x1  }
0x1: {  	s6 =	rddreg [dreg:$0x0]  }
0x2: {  	s0 =	srdreg.scid;
	s2 =	rddreg [dreg:$0x1];
	s3 =	simm.s32 $0x0  }
0x3: {  	s14 =	simm.s32 $0x80;
	s5 =	sand.u32 $0x1, s0;
	s0 =	stileid.u32  }
0x4: {  	s15 =	simm.s32 $0x0;
	[smem:$0x7FF] =	sst s3;
	s7 =	smul.u32 $0x140000, s5  }
0x5: {  	s1 =	sshll.u32 s5, $0x4;
	s8 =	smul.u32 $0x14000, s0;
	s31 =	ssub.s32 $0x2, s5  }
0x6: {  	s10 =	smul.u32 $0x50000, s0;
	s5 =	sadd.s32 $0xCC00, s6;
	s12 =	sshll.u32 s0, $0x6  }
0x7: {  	s1 =	sor.u32 s0, s1;
	s11 =	sshrl.u32 s31, $0x1;
	s12 =	sor.u32 $0x1C01, s12  }
0x8: {  	s4 =	smul.u32 $0x500, s1;
	s1 =	rddreg [dreg:$0x2];
	_ =	strace $0x80000047  }
0x9: {  	s7 =	sadd.s32 s8, s7;
	s8 =	ssub.s32 s31, s11;
	s10 =	sshrl.u32 s10, $0x2  }
0xa: {  	s11 =	simm.s32 $0x16800;
	s7 =	sshrl.u32 s7, $0x3;
	s13 =	sadd.s32 s10, s2  }
0xb: {  	s8 =	smax.u32 s8, $0x1;
	s10 =	simm.s32 $0x1;
	s9 =	sadd.s32 s4, s6  }
0xc: {  	s4 =	sadd.s32 $0xF400, s6;
	s7 =	sadd.s32 s7, s6;
	s13 =	sshrl.u32 s13, $0x3  }
0xd: {  	s6 =	sadd.s32 $0x2C00, s9;
	s7 =	sadd.s32 $0xFC00, s7;
	s9 =	simm.s32 $0x14000  }
.LBB2_1:
0xe: {  	[tilespmem:s9], [sflag:$0x1] =	stream.linear.gather [hbm4b:s6+s3], $0x2780, $0x38;
	[tilespmem:$0x1A800] =	vst v63  }
0xf: {  	_ =	swait.ge [sflag:s10], $0x2780  }
0x10: {  	[sflag:s10] =	ssyncset.done $0x0  }
0x11: {  	[sflag:s10] =	ssyncadd.s32 $0xFFFFD880  }
0x12: {  	[tilespmem:s11], [sflag:$0x1] =	stream.linear.gather [hbm4b:s4+s3], $0x4000, $0x38;
	[tilespmem:$0x1A800] =	vst v63  }
0x13: {  	_ =	swait.ge [sflag:s10], $0x4000  }
0x14: {  	[sflag:s10] =	ssyncset.done $0x0  }
0x15: {  	[sflag:s10] =	ssyncadd.s32 $0xFFFFC000  }
0x16: {  	[spmem:s13], [sflag:s12] =	dma.local [hbm:s5], $0x2800  }
0x17: {  	_ =	swait.ge [sflag:s10], $0x2800  }
0x18: {  	[sflag:s10] =	ssyncset.done $0x0  }
0x19: {  	[sflag:s10] =	ssyncadd.s32 $0xFFFFD800  }
0x1a: {  	s16 =	simm.s32 $0x14000;
	[bflag:$0x0] =	sbarrier.arrive $0xFFFF  }
0x1b: {  	[spmem:s2] =	stream.indirect.scatter.add.f32 [tilespmem:s11], [sflag:$0x1], $0x80, s16, s14, $0xb8;
	[tilespmem:$0x1A800] =	vst v63  }
0x1c: {  	s16 =	simm.s32 $0x200;
	_ =	swait.ge [sflag:s10], $0x4000  }
.LBB2_2:
0x1d: {  	s17 =	sshra.s32 s16, $0x2;
	[sflag:s10] =	ssyncset.done $0x0;
	p0 =	sne.s32 s16, $0x9C00  }
.Ltmp0:
0x1e: {  	s17 =	sadd.s32 $0x14000, s17;
	[sflag:s10] =	ssyncadd.s32 $0xFFFFC000;
	(pc) =	sbr.rel @p0 .LBB2_2-.Ltmp0, $3  }
0x1f: {  	[spmem:s2] =	stream.indirect.scatter.add.f32 [tilespmem:s11], [sflag:$0x1], $0x80, s17, s14, $0xb8;
	[tilespmem:$0x1A800] =	vst v63  }
0x20: {  	s16 =	sadd.s32 $0x200, s16;
	_ =	sdelay $0x1  }
0x21: {  	_ =	swait.ge [sflag:s10], $0x4000  }
0x22: {  	[sflag:s10] =	ssyncset.done $0x0;
	s15 =	sadd.s32 $0x1, s15  }
0x23: {  	[sflag:s10] =	ssyncadd.s32 $0xFFFFC000;
	p0 =	sne.s32 s15, s8  }
.Ltmp1:
0x24: {  	[bflag:$0x0] =	sbarrier.arrive $0xFFFF;
	(pc) =	sbr.rel @p0 .LBB2_1-.Ltmp1, $4  }
0x25: {  	[hbm:s7], [sflag:s12] =	dma.local [spmem:s13], $0x2800  }
0x26: {  	_ =	swait.ge [sflag:s10], $0x2800  }
0x27: {  	[sflag:s10] =	ssyncset.done $0x0  }
0x28: {  	[sflag:s10] =	ssyncadd.s32 $0xFFFFD800  }
0x29: {  	_ =	sfence.sel $0x180000  }
0x2a: {  	[bflag:$0x0] =	sbarrier.arrive $0xFFFF  }
0x2b: {  	p0 =	sne.s32 s0, $0x0;
	_ =	strace $0x90000047  }
0x2c: {  	s0 =	sadd.s32 @!p0 $0x100000, s1;
	[bflag:$0x2] =	sbarrier.arrive $0xFFFF  }
0x2d: {  	[sflag:s0] =	ssyncadd.tile.s32 @!p0 $0x1;
	_ =	shalt  }
.Lfunc_end2:
_tile_overlayer_lowered:
.L_overlay_start_2:
0x2e: {  	(tag) =	ssettag $0x2  }
0x2f: {  	s0 =	rddreg [dreg:$0x0];
	s2 =	stileid.u32  }
0x30: {  	s1 =	rddreg [dreg:$0x1];
	p0 =	sne.s32 s2, $0x0  }
0x31: {  	s3 =	rddreg [dreg:$0x2];
	[bflag:$0x3] =	sbarrier.arrive $0xFFFF;
	s2 =	simm.s32 @!p0 $0x1C01  }
0x32: {  	[timem:s3], [sflag:s2] =	dma.local @!p0 [hbm:s0], s1  }
0x33: {  	s0 =	simm.s32 @!p0 $0x1  }
0x34: {  	_ =	swait.ge @!p0 [sflag:s0], s1  }
0x35: {  	s1 =	ssub.s32 @!p0 $0x0, s1;
	[sflag:s0] =	ssyncset.done @!p0 $0x0  }
0x36: {  	[sflag:s0] =	ssyncadd.s32 @!p0 s1  }
0x37: {  	[bflag:$0x3] =	sbarrier.arrive $0xFFFF  }
0x38: {  	_ =	shalt  }

// kernel: kernel.14.cloned.1.call-start
scs
__scs_entry_jumppad:
0x0: {  	(pc) =	sbr.rel $0x88, $3  }
0x1: {  	(tag) =	ssettag $0x0;
	lr =	simm.s32 $0x1  }
0x2: {  	[smem:$0x3F96] =	sst lr;
	_ =	strace $0xD0000000  }
0x3: {  	_ = 	snop  }
0x4: {  	_ = 	snop  }
0x5: {  	_ = 	snop  }
0x6: {  	_ = 	snop  }
0x7: {  	_ = 	snop  }
__scs_overlays_trampoline_lowered:
0x8: {  	[smem:$0x3FA5] =	sst s0  }
0x9: {  	[smem:$0x3FA6] =	sst s1  }
0xa: {  	[smem:$0x3FA7] =	sst s2  }
0xb: {  	[smem:$0x3FA8] =	sst s3  }
0xc: {  	[smem:$0x3FA9] =	sst s4  }
0xd: {  	[smem:$0x3FAA] =	sst s5  }
0xe: {  	[smem:$0x3FAB] =	sst s6  }
0xf: {  	[smem:$0x3FAC] =	sst s7  }
0x10: {  	[smem:$0x3FAD] =	sst s8  }
0x11: {  	[smem:$0x3FAE] =	sst s9;
	s0 =	simm.s32 @!p0 $0x0  }
0x12: {  	s1 =	sld [smem:$0x3F94];
	s0 =	simm.s32 @p0 $0x1  }
0x13: {  	[smem:$0x3FAF] =	sst s0;
	s0 =	simm.s32 @!p1 $0x0  }
0x14: {  	s2 =	sld [smem:$0x3F93];
	s0 =	simm.s32 @p1 $0x1  }
0x15: {  	[smem:$0x3FB0] =	sst s0;
	s0 =	simm.s32 @!p2 $0x0  }
0x16: {  	s3 =	sld [smem:$0x3FDB];
	s0 =	simm.s32 @p2 $0x1  }
0x17: {  	s4 =	simm.s32 $0x1BF5;
	[smem:$0x3FB2] =	sst s0  }
0x18: {  	s0 =	sld [smem:$0x3F95];
	_ =	swait.ge [sflag:s4], $0x0  }
0x19: {  	s7 =	sld [smem:$0x3F96]  }
0x1a: {  	s8 =	sadd.s32 $0xFFFFE003, lr  }
0x1b: {  	s9 =	sadd.s32 $0xFFFFFEF7, lr;
	s5 =	simm.s32 $0xFFFFFFFF;
	p2 =	slt.u32 s8, $0xFFFFF086  }
0x1c: {  	p1 =	slt.u32 s9, $0xF7A;
	s5 =	simm.s32 @!p2 $0x0  }
0x1d: {  	s5 =	simm.s32 @p1 $0x1;
	p0 =	seq.s32 s7, s2  }
0x1e: {  	s7 =	smul.u32 @!p0 $0xF7A, s2;
	p2 =	seq.s32 @!p0 s5, $0x0  }
0x1f: {  	s9 =	smul.u32 $0xF7A, s1;
	s8 =	simm.s32 @!p0 $0x1BF5;
	p2 =	por !p2, p0  }
0x20: {  	[sflag:s8] =	ssyncset.s32 @!p0 $0xFFFFF086;
	s6 =	sadd.s32 @!p0 s3, s7;
	s7 =	simm.s32 @!p0 $0x108  }
0x21: {  	s3 =	sadd.s32 s3, s9;
	s6 =	sadd.s32 @!p0 $0x88, s6;
	s7 =	simm.s32 @p2 $0x1082  }
0x22: {  	[simem:s7], [sflag:s8] =	dma.local @!p0 [hbm:s6], $0xF7A  }
0x23: {  	s9 =	sor.u32 $0xD0000000, s2;
	s6 =	simm.s32 $0x108;
	_ =	swait.ge @!p0 [sflag:s8], $0x0  }
0x24: {  	s3 =	sadd.s32 $0x88, s3;
	s6 =	simm.s32 @!p1 $0x1082;
	[sflag:s4] =	ssyncset.s32 $0xFFFFF086  }
0x25: {  	[simem:s6], [sflag:s4] =	dma.local [hbm:s3], $0xF7A  }
0x26: {  	[smem:$0x3F96] =	sst s1;
	(tag) =	ssettag s2;
	_ =	strace s9  }
0x27: {  	s1 =	sld [smem:$0x3FA6]  }
0x28: {  	s2 =	sld [smem:$0x3FA7]  }
0x29: {  	s4 =	sld [smem:$0x3FA9]  }
0x2a: {  	p0 =	seq.s32 s5, $0x0;
	s5 =	sld [smem:$0x3FAA]  }
0x2b: {  	s6 =	sld [smem:$0x3FAB]  }
0x2c: {  	s7 =	sld [smem:$0x3FAC]  }
0x2d: {  	s3 =	simm.s32 $0x108;
	s8 =	sld [smem:$0x3FAD]  }
0x2e: {  	s3 =	simm.s32 @!p0 $0x1082;
	s9 =	sld [smem:$0x3FAE]  }
0x2f: {  	lr =	sadd.s32 s0, s3;
	s0 =	sld [smem:$0x3FA5]  }
0x30: {  	s3 =	sld [smem:$0x3FA8]  }
0x31: {  	[smem:$0x3FB1] =	sst s10  }
0x32: {  	s10 =	sld [smem:$0x3FAF];
	_ =	sdelay $0x3  }
0x33: {  	p0 =	seq.s32 s10, $0x1;
	s10 =	sld [smem:$0x3FB1];
	_ =	sdelay $0x3  }
0x34: {  	[smem:$0x3FB1] =	sst s10  }
0x35: {  	s10 =	sld [smem:$0x3FB0];
	_ =	sdelay $0x3  }
0x36: {  	p1 =	seq.s32 s10, $0x1;
	s10 =	sld [smem:$0x3FB1];
	_ =	sdelay $0x3  }
0x37: {  	[smem:$0x3FB1] =	sst s10  }
0x38: {  	s10 =	sld [smem:$0x3FB2]  }
0x39: {  	_ = 	snop;
	(pc) =	sbr.ind lr, $3  }
0x3a: {  	_ = 	snop  }
0x3b: {  	_ = 	snop  }
0x3c: {  	p2 =	seq.s32 s10, $0x1;
	s10 =	sld [smem:$0x3FB1]  }
0x3d: {  	_ =	shalt  }
0x3e: {  	_ =	shalt  }
0x3f: {  	_ =	shalt  }
0x40: {  	_ =	shalt  }
0x41: {  	_ =	shalt  }
0x42: {  	_ =	shalt  }
0x43: {  	_ =	shalt  }
0x44: {  	_ =	shalt  }
0x45: {  	_ =	shalt  }
0x46: {  	_ =	shalt  }
0x47: {  	_ =	shalt  }
0x48: {  	_ =	shalt  }
0x49: {  	_ =	shalt  }
0x4a: {  	_ =	shalt  }
0x4b: {  	_ =	shalt  }
0x4c: {  	_ =	shalt  }
0x4d: {  	_ =	shalt  }
0x4e: {  	_ =	shalt  }
0x4f: {  	_ =	shalt  }
0x50: {  	_ =	shalt  }
0x51: {  	_ =	shalt  }
0x52: {  	_ =	shalt  }
0x53: {  	_ =	shalt  }
0x54: {  	_ =	shalt  }
0x55: {  	_ =	shalt  }
0x56: {  	_ =	shalt  }
0x57: {  	_ =	shalt  }
0x58: {  	_ =	shalt  }
0x59: {  	_ =	shalt  }
0x5a: {  	_ =	shalt  }
0x5b: {  	_ =	shalt  }
0x5c: {  	_ =	shalt  }
0x5d: {  	_ =	shalt  }
0x5e: {  	_ =	shalt  }
0x5f: {  	_ =	shalt  }
0x60: {  	_ =	shalt  }
0x61: {  	_ =	shalt  }
0x62: {  	_ =	shalt  }
0x63: {  	_ =	shalt  }
0x64: {  	_ =	shalt  }
0x65: {  	_ =	shalt  }
0x66: {  	_ =	shalt  }
0x67: {  	_ =	shalt  }
0x68: {  	_ =	shalt  }
0x69: {  	_ =	shalt  }
0x6a: {  	_ =	shalt  }
0x6b: {  	_ =	shalt  }
0x6c: {  	_ =	shalt  }
0x6d: {  	_ =	shalt  }
0x6e: {  	_ =	shalt  }
0x6f: {  	_ =	shalt  }
0x70: {  	_ =	shalt  }
0x71: {  	_ =	shalt  }
0x72: {  	_ =	shalt  }
0x73: {  	_ =	shalt  }
0x74: {  	_ =	shalt  }
0x75: {  	_ =	shalt  }
0x76: {  	_ =	shalt  }
0x77: {  	_ =	shalt  }
0x78: {  	_ =	shalt  }
0x79: {  	_ =	shalt  }
0x7a: {  	_ =	shalt  }
0x7b: {  	_ =	shalt  }
0x7c: {  	_ =	shalt  }
0x7d: {  	_ =	shalt  }
0x7e: {  	_ =	shalt  }
0x7f: {  	_ =	shalt  }
0x80: {  	_ =	shalt  }
0x81: {  	_ =	shalt  }
0x82: {  	_ =	shalt  }
0x83: {  	_ =	shalt  }
0x84: {  	_ =	shalt  }
0x85: {  	_ =	shalt  }
0x86: {  	_ =	shalt  }
0x87: {  	_ =	shalt  }
.Lfunc_end0:
.L_simem_size_0:
called_computation.1_lowered:
.L_overlay_start_0:
0x88: {  	s2 =	sld [smem:$0x3FD9]  }
0x89: {  	s3 =	sld [smem:$0x3FFE];
	_ =	sdelay $0x1  }
0x8a: {  	s1 =	srdreg.scid  }
0x8b: {  	s0 =	sand.u32 $0x1, s1  }
0x8c: {  	s16 =	sshll.u32 s0, $0xA;
	s2 =	sadd.s32 s3, s2  }
0x8d: {  	s2 =	sadd.s32 s2, s16  }
0x8e: {  	[smem:$0x3FBD] =	sst s2  }
0x8f: {  	_ = 	snop  }
0x90: {  	(tm) =	ssettm $0x1  }
0x91: {  	s17 =	sld [smem:$0x3FFB];
	_ =	sdelay $0x3  }
0x92: {  	_ =	strace s17  }
0x93: {  	s2 =	sld [smem:$0x3FFC];
	_ =	sdelay $0x3  }
0x94: {  	_ =	strace s2  }
0x95: {  	s2 =	sld [smem:$0x3FFD];
	_ =	sdelay $0x3  }
0x96: {  	_ =	strace s2  }
0x97: {  	_ =	strace $0x8FFFFFFF  }
0x98: {  	s18 =	sld [smem:$0x3FDB];
	_ =	sdelay $0x1  }
0x99: {  	s19 =	simm.s32 $_scs_section_size  }
0x9a: {  	s4 =	simm.s32 $_size__tile_overlayer_lowered;
	s5 =	simm.s32 $_tile_overlayer_lowered  }
0x9b: {  	s22 =	simm.s32 $0x1BFF;
	s21 =	sshll.u32 s5, $0x1;
	s2 =	sadd.s32 s19, s18  }
0x9c: {  	s6 =	simm.s32 $0x0;
	s20 =	sshll.u32 s4, $0x1;
	s4 =	sadd.s32 s21, s2  }
0x9d: {  	[timem:s6], [sflag:s22] =	dma.local [hbm:s4], s20  }
0x9e: {  	_ =	swait.ge [sflag:s22], s20  }
0x9f: {  	s3 =	ssub.s32 $0x0, s20;
	[sflag:s22] =	ssyncset.done $0x0  }
0xa0: {  	[sflag:s22] =	ssyncadd.s32 s3;
	_ =	sdelay $0x1  }
0xa1: {  	s23 =	simm.s32 $0x1B8B  }
0xa2: {  	_ =	swait.ge [sflag:s23], $0x1  }
0xa3: {  	[sflag:s23] =	ssyncset.done $0x0  }
0xa4: {  	s25 =	simm.s32 $0x1B8E;
	s24 =	sld [smem:$0x3FFE];
	[sflag:s23] =	ssyncadd.s32 $0xFFFFFFFF  }
0xa5: {  	s26 =	simm.s32 $execute0_lowered;
	[smem:$0x3FD2] =	sst s25  }
0xa6: {  	s4 =	sshll.u32 s26, $0x1;
	_ =	strace $0x80000049;
	[dreg:$0x1] =	wrdreg $0xFFFFFFFF  }
0xa7: {  	s28 =	simm.s32 $_size_execute0_lowered;
	s2 =	sadd.s32 s2, s4;
	[dreg:$0x0] =	wrdreg $0x0  }
0xa8: {  	s4 =	sshll.u32 s28, $0x1;
	[dreg:$0x2] =	wrdreg s2  }
0xa9: {  	[dreg:$0x3] =	wrdreg s4  }
0xaa: {  	[dreg:$0x4] =	wrdreg $0xC0  }
0xab: {  	_ =	task [dreg:s6], $0x5FFFF  }
0xac: {  	[dreg:$0x1] =	wrdreg $0xFFFFFFFF  }
0xad: {  	[dreg:$0x0] =	wrdreg $0x60  }
0xae: {  	[dreg:$0x2] =	wrdreg s24  }
0xaf: {  	[dreg:$0x3] =	wrdreg $0x0  }
0xb0: {  	[dreg:$0x4] =	wrdreg $0x9  }
0xb1: {  	_ =	task.clear_ibuf [dreg:s6], $0x5FFFF;
	_ =	strace $0x90000049  }
0xb2: {  	s29 =	simm.s32 $0x9;
	_ =	strace $0x8000004B  }
0xb3: {  	_ =	swait.ge [sflag:s29], $0x1  }
0xb4: {  	[sflag:s29] =	ssyncadd.s32 $0xFFFFFFFF  }
0xb5: {  	_ =	strace $0x9000004B  }
0xb6: {  	_ =	sfence  }
0xb7: {  	s30 =	sld [smem:$0x0];
	_ =	sdelay $0x2  }
0xb8: {  	s31 =	sshll.u32 s1, $0xD;
	s1 =	sshrl.u32 s1, $0x2  }
0xb9: {  	s3 =	sand.u32 $0x4000, s31;
	s1 =	sadd.s32 s1, s30  }
0xba: {  	s0 =	sor.u32 s3, s0;
	s1 =	sshll.u32 s1, $0x11  }
0xbb: {  	s0 =	sor.u32 s1, s0  }
0xbc: {  	s0 =	sadd.s32 $0x8F2B, s0  }
0xbd: {  	[sflag:s0] =	ssyncadd.remote.s32 $0x1  }
0xbe: {  	_ =	sfence.sel $0xFFFF  }
0xbf: {  	[dreg:$0x0] =	wrdreg $0xFFFFFFFF;
	(pc) =	sbr.abs _section_cstart, $3  }
0xc0: {  	[dreg:$0x1] =	wrdreg $0xFFFFFFFF  }
0xc1: {  	_ =	task.clear_ibuf [dreg:s6], $0x2FFFF;
	_ =	strace $0x9FFFFFFF  }
0xc2: {  	(tm) =	ssettm $0x7FFFFFFF  }
0xc3: {  	_ =	shalt  }
tec
execute0_lowered:
.L_overlay_start_1:
0x0: {  	(tag) =	ssettag $0x1  }
0x1: {  	s6 =	rddreg [dreg:$0x0]  }
0x2: {  	s2 =	rddreg [dreg:$0x1]  }
0x3: {  	s1 =	srdreg.scid;
	s0 =	rddreg [dreg:$0x2]  }
0x4: {  	s3 =	simm.s32 $0x0;
	s13 =	simm.s32 $0x3;
	s14 =	simm.s32 $0x17400  }
0x5: {  	s17 =	simm.s32 $0x40;
	s18 =	simm.s32 $0x1A800;
	s19 =	simm.s32 $0x1  }
0x6: {  	s20 =	simm.s32 $0x1C800;
	s21 =	simm.s32 $0x2;
	s7 =	sand.u32 $0x1, s1  }
0x7: {  	s22 =	simm.s32 $0x0;
	s1 =	stileid.u32;
	s5 =	smul.u32 $0x140000, s7  }
0x8: {  	[smem:$0x7FF] =	sst s3;
	s4 =	sshll.u32 s7, $0x4;
	s8 =	smul.u32 $0x14000, s1  }
0x9: {  	_ =	strace $0x8000004A;
	s31 =	ssub.s32 $0x2, s7;
	s11 =	smul.u32 $0x50000, s1  }
0xa: {  	p0 =	seq.s32 s7, $0x0;
	s15 =	sshll.u32 s1, $0x6;
	s4 =	sor.u32 s1, s4  }
0xb: {  	s12 =	sshrl.u32 s31, $0x1;
	s15 =	sor.u32 $0x1C03, s15;
	s9 =	smul.u32 $0x680, s4  }
0xc: {  	s4 =	sadd.s32 $0xF400, s6;
	s8 =	sadd.s32 s8, s5;
	s5 =	sadd.s32 $0xCC00, s6  }
0xd: {  	s12 =	ssub.s32 s31, s12;
	s11 =	sshrl.u32 s11, $0x2;
	s8 =	sshrl.u32 s8, $0x3  }
0xe: {  	s16 =	sadd.s32 s11, s2;
	s11 =	smax.u32 s12, $0x1;
	s12 =	simm.s32 $0x14000  }
0xf: {  	s9 =	sadd.s32 s9, s6;
	s10 =	sadd.s32 s8, s6;
	s6 =	simm.s32 $0x61  }
0x10: {  	s16 =	sshrl.u32 s16, $0x3;
	s6 =	simm.s32 @!p0 $0x3C;
	s7 =	sadd.s32 $0x5FC00, s9  }
0x11: {  	s8 =	sadd.s32 $0x6CC00, s9;
	s10 =	sadd.s32 $0x79C00, s10;
	s9 =	sadd.s32 $0xFFFFFFFF, s6  }
.LBB2_1:
0x12: {  	[tilespmem:s12], [sflag:$0x3] =	stream.linear.gather [hbm4b:s7+s3], $0x3080, $0x38;
	[tilespmem:$0x1E800] =	vst v63  }
0x13: {  	_ =	swait.ge [sflag:s13], $0x3080  }
0x14: {  	[sflag:s13] =	ssyncset.done $0x0  }
0x15: {  	[sflag:s13] =	ssyncadd.s32 $0xFFFFCF80  }
0x16: {  	[tilespmem:s14], [sflag:$0x3] =	stream.linear.gather [hbm4b:s8+s3], $0x3080, $0x38;
	[tilespmem:$0x1E800] =	vst v63  }
0x17: {  	_ =	swait.ge [sflag:s13], $0x3080  }
0x18: {  	[sflag:s13] =	ssyncset.done $0x0  }
0x19: {  	[sflag:s13] =	ssyncadd.s32 $0xFFFFCF80  }
0x1a: {  	[spmem:s16], [sflag:s15] =	dma.local [hbm:s5], $0x2800  }
0x1b: {  	_ =	swait.ge [sflag:s13], $0x2800  }
0x1c: {  	[sflag:s13] =	ssyncset.done $0x0  }
0x1d: {  	[sflag:s13] =	ssyncadd.s32 $0xFFFFD800  }
0x1e: {  	[bflag:$0x0] =	sbarrier.arrive $0xFFFF  }
0x1f: {  	[tilespmem:s18], [sflag:$0x1] =	stream.indirect.gather [hbm4b:s4+s17], $0x80, s12, s17, $0xb8;
	[tilespmem:$0x1E800] =	vst v63  }
0x20: {  	_ =	swait.ge [sflag:s19], $0x2000  }
0x21: {  	[sflag:s19] =	ssyncset.done $0x0  }
0x22: {  	s23 =	simm.s32 $0x14040;
	[sflag:s19] =	ssyncadd.s32 $0xFFFFE000  }
0x23: {  	[tilespmem:s20], [sflag:$0x2] =	stream.indirect.gather [hbm4b:s4+s17], $0x80, s23, s17, $0xb8;
	[tilespmem:$0x1E800] =	vst v63  }
0x24: {  	s24 =	simm.s32 $0x17400  }
0x25: {  	[spmem:s2] =	stream.indirect.scatter.add.f32 [tilespmem:s18], [sflag:$0x3], $0x80, s24, s17, $0xb8;
	[tilespmem:$0x1E800] =	vst v63  }
0x26: {  	p0 =	sgt.s32 s9, $0x1;
	_ =	swait.ge [sflag:s13], $0x2000  }
0x27: {  	s25 =	smov.u32 s9;
	s24 =	simm.s32 $0x1;
	[sflag:s13] =	ssyncset.done $0x0  }
0x28: {  	s25 =	smov.u32 @p0 s24;
	[sflag:s13] =	ssyncadd.s32 $0xFFFFE000  }
0x29: {  	s25 =	sshll.u32 s25, $0x7;
	_ =	swait.ge [sflag:s21], $0x2000  }
0x2a: {  	s25 =	sand.u32 $0x3FFFFF80, s25;
	[sflag:s21] =	ssyncset.done $0x0  }
0x2b: {  	p0 =	sne.s32 s6, $0x1;
	s25 =	sadd.s32 $0x14000, s25;
	[sflag:s21] =	ssyncadd.s32 $0xFFFFE000  }
0x2c: {  	[tilespmem:s18], [sflag:$0x1] =	stream.indirect.gather [hbm4b:s4+s17], $0x80, s25, s17, $0xb8;
	[tilespmem:$0x1E800] =	vst v63  }
.Ltmp0:
0x2d: {  	_ = 	snop;
	(pc) =	sbr.rel @!p0 .LBB2_3-.Ltmp0, $4  }
0x2e: {  	s31 =	simm.s32 $0x17440  }
0x2f: {  	[spmem:s2] =	stream.indirect.scatter.add.f32 [tilespmem:s20], [sflag:$0x3], $0x80, s31, s17, $0xb8;
	[tilespmem:$0x1E800] =	vst v63  }
0x30: {  	_ =	swait.ge [sflag:s13], $0x2000  }
0x31: {  	s25 =	simm.s32 $0x174C0;
	[sflag:s13] =	ssyncset.done $0x0  }
.LBB2_2:
0x32: {  	s24 =	sadd.s32 $0x1, s24;
	[sflag:s13] =	ssyncadd.s32 $0xFFFFE000;
	s23 =	sadd.s32 $0x80, s23  }
0x33: {  	s26 =	smov.u32 s9;
	p1 =	slt.s32 s24, s9;
	p0 =	sne.s32 s6, s24  }
0x34: {  	s26 =	smov.u32 @p1 s24;
	_ =	swait.ge [sflag:s19], $0x2000  }
0x35: {  	[sflag:s19] =	ssyncset.done $0x0;
	s26 =	sshll.u32 s26, $0x7  }
0x36: {  	[sflag:s19] =	ssyncadd.s32 $0xFFFFE000;
	s26 =	sand.u32 $0x3FFFFF80, s26  }
0x37: {  	[tilespmem:s20], [sflag:$0x2] =	stream.indirect.gather [hbm4b:s4+s17], $0x80, s23, s17, $0xb8;
	[tilespmem:$0x1E800] =	vst v63  }
0x38: {  	s28 =	sadd.s32 $0xFFFFFFC0, s25  }
0x39: {  	[spmem:s2] =	stream.indirect.scatter.add.f32 [tilespmem:s18], [sflag:$0x3], $0x80, s28, s17, $0xb8;
	[tilespmem:$0x1E800] =	vst v63  }
0x3a: {  	_ =	swait.ge [sflag:s13], $0x2000  }
0x3b: {  	[sflag:s13] =	ssyncset.done $0x0  }
0x3c: {  	[sflag:s13] =	ssyncadd.s32 $0xFFFFE000  }
0x3d: {  	_ =	swait.ge [sflag:s21], $0x2000  }
0x3e: {  	[sflag:s21] =	ssyncset.done $0x0  }
0x3f: {  	s26 =	sadd.s32 $0x14000, s26;
	[sflag:s21] =	ssyncadd.s32 $0xFFFFE000  }
0x40: {  	[tilespmem:s18], [sflag:$0x1] =	stream.indirect.gather [hbm4b:s4+s17], $0x80, s26, s17, $0xb8;
	[tilespmem:$0x1E800] =	vst v63  }
.Ltmp1:
0x41: {  	_ = 	snop;
	(pc) =	sbr.rel @p0 .LBB2_2-.Ltmp1, $4  }
0x42: {  	_ = 	snop  }
0x43: {  	[spmem:s2] =	stream.indirect.scatter.add.f32 [tilespmem:s20], [sflag:$0x3], $0x80, s25, s17, $0xb8;
	[tilespmem:$0x1E800] =	vst v63  }
0x44: {  	_ =	swait.ge [sflag:s13], $0x2000  }
0x45: {  	s25 =	sadd.s32 $0x80, s25;
	[sflag:s13] =	ssyncset.done $0x0  }
.LBB2_3:
0x46: {  	[sflag:s13] =	ssyncadd.s32 $0xFFFFE000  }
0x47: {  	_ =	swait.ge [sflag:s19], $0x2000  }
0x48: {  	s22 =	sadd.s32 $0x1, s22;
	[sflag:s19] =	ssyncset.done $0x0  }
0x49: {  	p0 =	sne.s32 s22, s11;
	[sflag:s19] =	ssyncadd.s32 $0xFFFFE000  }
.Ltmp2:
0x4a: {  	[bflag:$0x0] =	sbarrier.arrive $0xFFFF;
	(pc) =	sbr.rel @p0 .LBB2_1-.Ltmp2, $4  }
0x4b: {  	[hbm:s10], [sflag:s15] =	dma.local [spmem:s16], $0x2800  }
0x4c: {  	_ =	swait.ge [sflag:s13], $0x2800  }
0x4d: {  	[sflag:s13] =	ssyncset.done $0x0  }
0x4e: {  	[sflag:s13] =	ssyncadd.s32 $0xFFFFD800  }
0x4f: {  	_ =	sfence.sel $0x180000  }
0x50: {  	[bflag:$0x0] =	sbarrier.arrive $0xFFFF  }
0x51: {  	p0 =	sne.s32 s1, $0x0;
	_ =	strace $0x9000004A  }
0x52: {  	s0 =	sadd.s32 @!p0 $0x100000, s0;
	[bflag:$0x2] =	sbarrier.arrive $0xFFFF  }
0x53: {  	[sflag:s0] =	ssyncadd.tile.s32 @!p0 $0x1;
	_ =	shalt  }
.Lfunc_end2:
_tile_overlayer_lowered:
.L_overlay_start_2:
0x54: {  	(tag) =	ssettag $0x2  }
0x55: {  	s0 =	rddreg [dreg:$0x0];
	s2 =	stileid.u32  }
0x56: {  	s1 =	rddreg [dreg:$0x1];
	p0 =	sne.s32 s2, $0x0  }
0x57: {  	s3 =	rddreg [dreg:$0x2];
	[bflag:$0x3] =	sbarrier.arrive $0xFFFF;
	s2 =	simm.s32 @!p0 $0x1C03  }
0x58: {  	[timem:s3], [sflag:s2] =	dma.local @!p0 [hbm:s0], s1  }
0x59: {  	s0 =	simm.s32 @!p0 $0x3  }
0x5a: {  	_ =	swait.ge @!p0 [sflag:s0], s1  }
0x5b: {  	s1 =	ssub.s32 @!p0 $0x0, s1;
	[sflag:s0] =	ssyncset.done @!p0 $0x0  }
0x5c: {  	[sflag:s0] =	ssyncadd.s32 @!p0 s1  }
0x5d: {  	[bflag:$0x3] =	sbarrier.arrive $0xFFFF  }
0x5e: {  	_ =	shalt  }

// kernel: kernel.17.cloned.1.call-start
scs
__scs_entry_jumppad:
0x0: {  	(pc) =	sbr.rel $0x88, $3  }
0x1: {  	(tag) =	ssettag $0x0;
	lr =	simm.s32 $0x1  }
0x2: {  	[smem:$0x3F96] =	sst lr;
	_ =	strace $0xD0000000  }
0x3: {  	_ = 	snop  }
0x4: {  	_ = 	snop  }
0x5: {  	_ = 	snop  }
0x6: {  	_ = 	snop  }
0x7: {  	_ = 	snop  }
__scs_overlays_trampoline_lowered:
0x8: {  	[smem:$0x3FA5] =	sst s0  }
0x9: {  	[smem:$0x3FA6] =	sst s1  }
0xa: {  	[smem:$0x3FA7] =	sst s2  }
0xb: {  	[smem:$0x3FA8] =	sst s3  }
0xc: {  	[smem:$0x3FA9] =	sst s4  }
0xd: {  	[smem:$0x3FAA] =	sst s5  }
0xe: {  	[smem:$0x3FAB] =	sst s6  }
0xf: {  	[smem:$0x3FAC] =	sst s7  }
0x10: {  	[smem:$0x3FAD] =	sst s8  }
0x11: {  	[smem:$0x3FAE] =	sst s9;
	s0 =	simm.s32 @!p0 $0x0  }
0x12: {  	s1 =	sld [smem:$0x3F94];
	s0 =	simm.s32 @p0 $0x1  }
0x13: {  	[smem:$0x3FAF] =	sst s0;
	s0 =	simm.s32 @!p1 $0x0  }
0x14: {  	s2 =	sld [smem:$0x3F93];
	s0 =	simm.s32 @p1 $0x1  }
0x15: {  	[smem:$0x3FB0] =	sst s0;
	s0 =	simm.s32 @!p2 $0x0  }
0x16: {  	s3 =	sld [smem:$0x3FDB];
	s0 =	simm.s32 @p2 $0x1  }
0x17: {  	s4 =	simm.s32 $0x1BF5;
	[smem:$0x3FB2] =	sst s0  }
0x18: {  	s0 =	sld [smem:$0x3F95];
	_ =	swait.ge [sflag:s4], $0x0  }
0x19: {  	s7 =	sld [smem:$0x3F96]  }
0x1a: {  	s8 =	sadd.s32 $0xFFFFE003, lr  }
0x1b: {  	s9 =	sadd.s32 $0xFFFFFEF7, lr;
	s5 =	simm.s32 $0xFFFFFFFF;
	p2 =	slt.u32 s8, $0xFFFFF086  }
0x1c: {  	p1 =	slt.u32 s9, $0xF7A;
	s5 =	simm.s32 @!p2 $0x0  }
0x1d: {  	s5 =	simm.s32 @p1 $0x1;
	p0 =	seq.s32 s7, s2  }
0x1e: {  	s7 =	smul.u32 @!p0 $0xF7A, s2;
	p2 =	seq.s32 @!p0 s5, $0x0  }
0x1f: {  	s9 =	smul.u32 $0xF7A, s1;
	s8 =	simm.s32 @!p0 $0x1BF5;
	p2 =	por !p2, p0  }
0x20: {  	[sflag:s8] =	ssyncset.s32 @!p0 $0xFFFFF086;
	s6 =	sadd.s32 @!p0 s3, s7;
	s7 =	simm.s32 @!p0 $0x108  }
0x21: {  	s3 =	sadd.s32 s3, s9;
	s6 =	sadd.s32 @!p0 $0x88, s6;
	s7 =	simm.s32 @p2 $0x1082  }
0x22: {  	[simem:s7], [sflag:s8] =	dma.local @!p0 [hbm:s6], $0xF7A  }
0x23: {  	s9 =	sor.u32 $0xD0000000, s2;
	s6 =	simm.s32 $0x108;
	_ =	swait.ge @!p0 [sflag:s8], $0x0  }
0x24: {  	s3 =	sadd.s32 $0x88, s3;
	s6 =	simm.s32 @!p1 $0x1082;
	[sflag:s4] =	ssyncset.s32 $0xFFFFF086  }
0x25: {  	[simem:s6], [sflag:s4] =	dma.local [hbm:s3], $0xF7A  }
0x26: {  	[smem:$0x3F96] =	sst s1;
	(tag) =	ssettag s2;
	_ =	strace s9  }
0x27: {  	s1 =	sld [smem:$0x3FA6]  }
0x28: {  	s2 =	sld [smem:$0x3FA7]  }
0x29: {  	s4 =	sld [smem:$0x3FA9]  }
0x2a: {  	p0 =	seq.s32 s5, $0x0;
	s5 =	sld [smem:$0x3FAA]  }
0x2b: {  	s6 =	sld [smem:$0x3FAB]  }
0x2c: {  	s7 =	sld [smem:$0x3FAC]  }
0x2d: {  	s3 =	simm.s32 $0x108;
	s8 =	sld [smem:$0x3FAD]  }
0x2e: {  	s3 =	simm.s32 @!p0 $0x1082;
	s9 =	sld [smem:$0x3FAE]  }
0x2f: {  	lr =	sadd.s32 s0, s3;
	s0 =	sld [smem:$0x3FA5]  }
0x30: {  	s3 =	sld [smem:$0x3FA8]  }
0x31: {  	[smem:$0x3FB1] =	sst s10  }
0x32: {  	s10 =	sld [smem:$0x3FAF];
	_ =	sdelay $0x3  }
0x33: {  	p0 =	seq.s32 s10, $0x1;
	s10 =	sld [smem:$0x3FB1];
	_ =	sdelay $0x3  }
0x34: {  	[smem:$0x3FB1] =	sst s10  }
0x35: {  	s10 =	sld [smem:$0x3FB0];
	_ =	sdelay $0x3  }
0x36: {  	p1 =	seq.s32 s10, $0x1;
	s10 =	sld [smem:$0x3FB1];
	_ =	sdelay $0x3  }
0x37: {  	[smem:$0x3FB1] =	sst s10  }
0x38: {  	s10 =	sld [smem:$0x3FB2]  }
0x39: {  	_ = 	snop;
	(pc) =	sbr.ind lr, $3  }
0x3a: {  	_ = 	snop  }
0x3b: {  	_ = 	snop  }
0x3c: {  	p2 =	seq.s32 s10, $0x1;
	s10 =	sld [smem:$0x3FB1]  }
0x3d: {  	_ =	shalt  }
0x3e: {  	_ =	shalt  }
0x3f: {  	_ =	shalt  }
0x40: {  	_ =	shalt  }
0x41: {  	_ =	shalt  }
0x42: {  	_ =	shalt  }
0x43: {  	_ =	shalt  }
0x44: {  	_ =	shalt  }
0x45: {  	_ =	shalt  }
0x46: {  	_ =	shalt  }
0x47: {  	_ =	shalt  }
0x48: {  	_ =	shalt  }
0x49: {  	_ =	shalt  }
0x4a: {  	_ =	shalt  }
0x4b: {  	_ =	shalt  }
0x4c: {  	_ =	shalt  }
0x4d: {  	_ =	shalt  }
0x4e: {  	_ =	shalt  }
0x4f: {  	_ =	shalt  }
0x50: {  	_ =	shalt  }
0x51: {  	_ =	shalt  }
0x52: {  	_ =	shalt  }
0x53: {  	_ =	shalt  }
0x54: {  	_ =	shalt  }
0x55: {  	_ =	shalt  }
0x56: {  	_ =	shalt  }
0x57: {  	_ =	shalt  }
0x58: {  	_ =	shalt  }
0x59: {  	_ =	shalt  }
0x5a: {  	_ =	shalt  }
0x5b: {  	_ =	shalt  }
0x5c: {  	_ =	shalt  }
0x5d: {  	_ =	shalt  }
0x5e: {  	_ =	shalt  }
0x5f: {  	_ =	shalt  }
0x60: {  	_ =	shalt  }
0x61: {  	_ =	shalt  }
0x62: {  	_ =	shalt  }
0x63: {  	_ =	shalt  }
0x64: {  	_ =	shalt  }
0x65: {  	_ =	shalt  }
0x66: {  	_ =	shalt  }
0x67: {  	_ =	shalt  }
0x68: {  	_ =	shalt  }
0x69: {  	_ =	shalt  }
0x6a: {  	_ =	shalt  }
0x6b: {  	_ =	shalt  }
0x6c: {  	_ =	shalt  }
0x6d: {  	_ =	shalt  }
0x6e: {  	_ =	shalt  }
0x6f: {  	_ =	shalt  }
0x70: {  	_ =	shalt  }
0x71: {  	_ =	shalt  }
0x72: {  	_ =	shalt  }
0x73: {  	_ =	shalt  }
0x74: {  	_ =	shalt  }
0x75: {  	_ =	shalt  }
0x76: {  	_ =	shalt  }
0x77: {  	_ =	shalt  }
0x78: {  	_ =	shalt  }
0x79: {  	_ =	shalt  }
0x7a: {  	_ =	shalt  }
0x7b: {  	_ =	shalt  }
0x7c: {  	_ =	shalt  }
0x7d: {  	_ =	shalt  }
0x7e: {  	_ =	shalt  }
0x7f: {  	_ =	shalt  }
0x80: {  	_ =	shalt  }
0x81: {  	_ =	shalt  }
0x82: {  	_ =	shalt  }
0x83: {  	_ =	shalt  }
0x84: {  	_ =	shalt  }
0x85: {  	_ =	shalt  }
0x86: {  	_ =	shalt  }
0x87: {  	_ =	shalt  }
.Lfunc_end0:
.L_simem_size_0:
called_computation.2_lowered:
.L_overlay_start_0:
0x88: {  	s2 =	sld [smem:$0x3FD9]  }
0x89: {  	s3 =	sld [smem:$0x3FFE];
	_ =	sdelay $0x1  }
0x8a: {  	s1 =	srdreg.scid  }
0x8b: {  	s0 =	sand.u32 $0x1, s1  }
0x8c: {  	s16 =	sshll.u32 s0, $0xA;
	s2 =	sadd.s32 s3, s2  }
0x8d: {  	s2 =	sadd.s32 s2, s16  }
0x8e: {  	[smem:$0x3FBD] =	sst s2  }
0x8f: {  	_ = 	snop  }
0x90: {  	(tm) =	ssettm $0x1  }
0x91: {  	s17 =	sld [smem:$0x3FFB];
	_ =	sdelay $0x3  }
0x92: {  	_ =	strace s17  }
0x93: {  	s2 =	sld [smem:$0x3FFC];
	_ =	sdelay $0x3  }
0x94: {  	_ =	strace s2  }
0x95: {  	s2 =	sld [smem:$0x3FFD];
	_ =	sdelay $0x3  }
0x96: {  	_ =	strace s2  }
0x97: {  	_ =	strace $0x8FFFFFFF  }
0x98: {  	s18 =	sld [smem:$0x3FDB];
	_ =	sdelay $0x1  }
0x99: {  	s19 =	simm.s32 $_scs_section_size  }
0x9a: {  	s4 =	simm.s32 $_size__tile_overlayer_lowered;
	s5 =	simm.s32 $_tile_overlayer_lowered  }
0x9b: {  	s22 =	simm.s32 $0x1BFF;
	s21 =	sshll.u32 s5, $0x1;
	s2 =	sadd.s32 s19, s18  }
0x9c: {  	s6 =	simm.s32 $0x0;
	s20 =	sshll.u32 s4, $0x1;
	s4 =	sadd.s32 s21, s2  }
0x9d: {  	[timem:s6], [sflag:s22] =	dma.local [hbm:s4], s20  }
0x9e: {  	_ =	swait.ge [sflag:s22], s20  }
0x9f: {  	s3 =	ssub.s32 $0x0, s20;
	[sflag:s22] =	ssyncset.done $0x0  }
0xa0: {  	[sflag:s22] =	ssyncadd.s32 s3;
	_ =	sdelay $0x1  }
0xa1: {  	s23 =	simm.s32 $0x1B8B  }
0xa2: {  	_ =	swait.ge [sflag:s23], $0x1  }
0xa3: {  	[sflag:s23] =	ssyncset.done $0x0  }
0xa4: {  	s25 =	simm.s32 $0x1B8E;
	s24 =	sld [smem:$0x3FFE];
	[sflag:s23] =	ssyncadd.s32 $0xFFFFFFFF  }
0xa5: {  	s26 =	simm.s32 $execute0_lowered;
	[smem:$0x3FD2] =	sst s25  }
0xa6: {  	s4 =	sshll.u32 s26, $0x1;
	_ =	strace $0x8000004C;
	[dreg:$0x1] =	wrdreg $0xFFFFFFFF  }
0xa7: {  	s28 =	simm.s32 $_size_execute0_lowered;
	s2 =	sadd.s32 s2, s4;
	[dreg:$0x0] =	wrdreg $0x0  }
0xa8: {  	s4 =	sshll.u32 s28, $0x1;
	[dreg:$0x2] =	wrdreg s2  }
0xa9: {  	[dreg:$0x3] =	wrdreg s4  }
0xaa: {  	[dreg:$0x4] =	wrdreg $0xC0  }
0xab: {  	_ =	task [dreg:s6], $0x5FFFF  }
0xac: {  	[dreg:$0x1] =	wrdreg $0xFFFFFFFF  }
0xad: {  	[dreg:$0x0] =	wrdreg $0x60  }
0xae: {  	[dreg:$0x2] =	wrdreg s24  }
0xaf: {  	[dreg:$0x3] =	wrdreg $0x0  }
0xb0: {  	[dreg:$0x4] =	wrdreg $0x9  }
0xb1: {  	_ =	task.clear_ibuf [dreg:s6], $0x5FFFF;
	_ =	strace $0x9000004C  }
0xb2: {  	s29 =	simm.s32 $0x9;
	_ =	strace $0x8000004E  }
0xb3: {  	_ =	swait.ge [sflag:s29], $0x1  }
0xb4: {  	[sflag:s29] =	ssyncadd.s32 $0xFFFFFFFF  }
0xb5: {  	_ =	strace $0x9000004E  }
0xb6: {  	_ =	sfence  }
0xb7: {  	s30 =	sld [smem:$0x0];
	_ =	sdelay $0x2  }
0xb8: {  	s31 =	sshll.u32 s1, $0xD;
	s1 =	sshrl.u32 s1, $0x2  }
0xb9: {  	s3 =	sand.u32 $0x4000, s31;
	s1 =	sadd.s32 s1, s30  }
0xba: {  	s0 =	sor.u32 s3, s0;
	s1 =	sshll.u32 s1, $0x11  }
0xbb: {  	s0 =	sor.u32 s1, s0  }
0xbc: {  	s0 =	sadd.s32 $0x8F2B, s0  }
0xbd: {  	[sflag:s0] =	ssyncadd.remote.s32 $0x1  }
0xbe: {  	_ =	sfence.sel $0xFFFF  }
0xbf: {  	[dreg:$0x0] =	wrdreg $0xFFFFFFFF;
	(pc) =	sbr.abs _section_cstart, $3  }
0xc0: {  	[dreg:$0x1] =	wrdreg $0xFFFFFFFF  }
0xc1: {  	_ =	task.clear_ibuf [dreg:s6], $0x2FFFF;
	_ =	strace $0x9FFFFFFF  }
0xc2: {  	(tm) =	ssettm $0x7FFFFFFF  }
0xc3: {  	_ =	shalt  }
tec
execute0_lowered:
.L_overlay_start_1:
0x0: {  	(tag) =	ssettag $0x1  }
0x1: {  	s6 =	rddreg [dreg:$0x0]  }
0x2: {  	s2 =	rddreg [dreg:$0x1]  }
0x3: {  	s1 =	srdreg.scid;
	s0 =	rddreg [dreg:$0x2]  }
0x4: {  	s3 =	simm.s32 $0x0;
	s13 =	simm.s32 $0x3;
	s14 =	simm.s32 $0x17400  }
0x5: {  	s17 =	simm.s32 $0x40;
	s18 =	simm.s32 $0x1A800;
	s19 =	simm.s32 $0x1  }
0x6: {  	s20 =	simm.s32 $0x1C800;
	s21 =	simm.s32 $0x2;
	s7 =	sand.u32 $0x1, s1  }
0x7: {  	s22 =	simm.s32 $0x0;
	s1 =	stileid.u32;
	s5 =	smul.u32 $0x140000, s7  }
0x8: {  	[smem:$0x7FF] =	sst s3;
	s4 =	sshll.u32 s7, $0x4;
	s8 =	smul.u32 $0x14000, s1  }
0x9: {  	_ =	strace $0x8000004D;
	s31 =	ssub.s32 $0x2, s7;
	s11 =	smul.u32 $0x50000, s1  }
0xa: {  	p0 =	seq.s32 s7, $0x0;
	s15 =	sshll.u32 s1, $0x6;
	s4 =	sor.u32 s1, s4  }
0xb: {  	s12 =	sshrl.u32 s31, $0x1;
	s15 =	sor.u32 $0x1C03, s15;
	s9 =	smul.u32 $0x680, s4  }
0xc: {  	s4 =	sadd.s32 $0xF400, s6;
	s8 =	sadd.s32 s8, s5;
	s5 =	sadd.s32 $0xCC00, s6  }
0xd: {  	s12 =	ssub.s32 s31, s12;
	s11 =	sshrl.u32 s11, $0x2;
	s8 =	sshrl.u32 s8, $0x3  }
0xe: {  	s16 =	sadd.s32 s11, s2;
	s11 =	smax.u32 s12, $0x1;
	s12 =	simm.s32 $0x14000  }
0xf: {  	s9 =	sadd.s32 s9, s6;
	s10 =	sadd.s32 s8, s6;
	s6 =	simm.s32 $0x61  }
0x10: {  	s16 =	sshrl.u32 s16, $0x3;
	s6 =	simm.s32 @!p0 $0x3C;
	s7 =	sadd.s32 $0x5FC00, s9  }
0x11: {  	s8 =	sadd.s32 $0x6CC00, s9;
	s10 =	sadd.s32 $0x79C00, s10;
	s9 =	sadd.s32 $0xFFFFFFFF, s6  }
.LBB2_1:
0x12: {  	[tilespmem:s12], [sflag:$0x3] =	stream.linear.gather [hbm4b:s7+s3], $0x3080, $0x38;
	[tilespmem:$0x1E800] =	vst v63  }
0x13: {  	_ =	swait.ge [sflag:s13], $0x3080  }
0x14: {  	[sflag:s13] =	ssyncset.done $0x0  }
0x15: {  	[sflag:s13] =	ssyncadd.s32 $0xFFFFCF80  }
0x16: {  	[tilespmem:s14], [sflag:$0x3] =	stream.linear.gather [hbm4b:s8+s3], $0x3080, $0x38;
	[tilespmem:$0x1E800] =	vst v63  }
0x17: {  	_ =	swait.ge [sflag:s13], $0x3080  }
0x18: {  	[sflag:s13] =	ssyncset.done $0x0  }
0x19: {  	[sflag:s13] =	ssyncadd.s32 $0xFFFFCF80  }
0x1a: {  	[spmem:s16], [sflag:s15] =	dma.local [hbm:s5], $0x2800  }
0x1b: {  	_ =	swait.ge [sflag:s13], $0x2800  }
0x1c: {  	[sflag:s13] =	ssyncset.done $0x0  }
0x1d: {  	[sflag:s13] =	ssyncadd.s32 $0xFFFFD800  }
0x1e: {  	[bflag:$0x0] =	sbarrier.arrive $0xFFFF  }
0x1f: {  	[tilespmem:s18], [sflag:$0x1] =	stream.indirect.gather [hbm4b:s4+s17], $0x80, s12, s17, $0xb8;
	[tilespmem:$0x1E800] =	vst v63  }
0x20: {  	_ =	swait.ge [sflag:s19], $0x2000  }
0x21: {  	[sflag:s19] =	ssyncset.done $0x0  }
0x22: {  	s23 =	simm.s32 $0x14040;
	[sflag:s19] =	ssyncadd.s32 $0xFFFFE000  }
0x23: {  	[tilespmem:s20], [sflag:$0x2] =	stream.indirect.gather [hbm4b:s4+s17], $0x80, s23, s17, $0xb8;
	[tilespmem:$0x1E800] =	vst v63  }
0x24: {  	s24 =	simm.s32 $0x17400  }
0x25: {  	[spmem:s2] =	stream.indirect.scatter.add.f32 [tilespmem:s18], [sflag:$0x3], $0x80, s24, s17, $0xb8;
	[tilespmem:$0x1E800] =	vst v63  }
0x26: {  	p0 =	sgt.s32 s9, $0x1;
	_ =	swait.ge [sflag:s13], $0x2000  }
0x27: {  	s25 =	smov.u32 s9;
	s24 =	simm.s32 $0x1;
	[sflag:s13] =	ssyncset.done $0x0  }
0x28: {  	s25 =	smov.u32 @p0 s24;
	[sflag:s13] =	ssyncadd.s32 $0xFFFFE000  }
0x29: {  	s25 =	sshll.u32 s25, $0x7;
	_ =	swait.ge [sflag:s21], $0x2000  }
0x2a: {  	s25 =	sand.u32 $0x3FFFFF80, s25;
	[sflag:s21] =	ssyncset.done $0x0  }
0x2b: {  	p0 =	sne.s32 s6, $0x1;
	s25 =	sadd.s32 $0x14000, s25;
	[sflag:s21] =	ssyncadd.s32 $0xFFFFE000  }
0x2c: {  	[tilespmem:s18], [sflag:$0x1] =	stream.indirect.gather [hbm4b:s4+s17], $0x80, s25, s17, $0xb8;
	[tilespmem:$0x1E800] =	vst v63  }
.Ltmp0:
0x2d: {  	_ = 	snop;
	(pc) =	sbr.rel @!p0 .LBB2_3-.Ltmp0, $4  }
0x2e: {  	s31 =	simm.s32 $0x17440  }
0x2f: {  	[spmem:s2] =	stream.indirect.scatter.add.f32 [tilespmem:s20], [sflag:$0x3], $0x80, s31, s17, $0xb8;
	[tilespmem:$0x1E800] =	vst v63  }
0x30: {  	_ =	swait.ge [sflag:s13], $0x2000  }
0x31: {  	s25 =	simm.s32 $0x174C0;
	[sflag:s13] =	ssyncset.done $0x0  }
.LBB2_2:
0x32: {  	s24 =	sadd.s32 $0x1, s24;
	[sflag:s13] =	ssyncadd.s32 $0xFFFFE000;
	s23 =	sadd.s32 $0x80, s23  }
0x33: {  	s26 =	smov.u32 s9;
	p1 =	slt.s32 s24, s9;
	p0 =	sne.s32 s6, s24  }
0x34: {  	s26 =	smov.u32 @p1 s24;
	_ =	swait.ge [sflag:s19], $0x2000  }
0x35: {  	[sflag:s19] =	ssyncset.done $0x0;
	s26 =	sshll.u32 s26, $0x7  }
0x36: {  	[sflag:s19] =	ssyncadd.s32 $0xFFFFE000;
	s26 =	sand.u32 $0x3FFFFF80, s26  }
0x37: {  	[tilespmem:s20], [sflag:$0x2] =	stream.indirect.gather [hbm4b:s4+s17], $0x80, s23, s17, $0xb8;
	[tilespmem:$0x1E800] =	vst v63  }
0x38: {  	s28 =	sadd.s32 $0xFFFFFFC0, s25  }
0x39: {  	[spmem:s2] =	stream.indirect.scatter.add.f32 [tilespmem:s18], [sflag:$0x3], $0x80, s28, s17, $0xb8;
	[tilespmem:$0x1E800] =	vst v63  }
0x3a: {  	_ =	swait.ge [sflag:s13], $0x2000  }
0x3b: {  	[sflag:s13] =	ssyncset.done $0x0  }
0x3c: {  	[sflag:s13] =	ssyncadd.s32 $0xFFFFE000  }
0x3d: {  	_ =	swait.ge [sflag:s21], $0x2000  }
0x3e: {  	[sflag:s21] =	ssyncset.done $0x0  }
0x3f: {  	s26 =	sadd.s32 $0x14000, s26;
	[sflag:s21] =	ssyncadd.s32 $0xFFFFE000  }
0x40: {  	[tilespmem:s18], [sflag:$0x1] =	stream.indirect.gather [hbm4b:s4+s17], $0x80, s26, s17, $0xb8;
	[tilespmem:$0x1E800] =	vst v63  }
.Ltmp1:
0x41: {  	_ = 	snop;
	(pc) =	sbr.rel @p0 .LBB2_2-.Ltmp1, $4  }
0x42: {  	_ = 	snop  }
0x43: {  	[spmem:s2] =	stream.indirect.scatter.add.f32 [tilespmem:s20], [sflag:$0x3], $0x80, s25, s17, $0xb8;
	[tilespmem:$0x1E800] =	vst v63  }
0x44: {  	_ =	swait.ge [sflag:s13], $0x2000  }
0x45: {  	s25 =	sadd.s32 $0x80, s25;
	[sflag:s13] =	ssyncset.done $0x0  }
.LBB2_3:
0x46: {  	[sflag:s13] =	ssyncadd.s32 $0xFFFFE000  }
0x47: {  	_ =	swait.ge [sflag:s19], $0x2000  }
0x48: {  	s22 =	sadd.s32 $0x1, s22;
	[sflag:s19] =	ssyncset.done $0x0  }
0x49: {  	p0 =	sne.s32 s22, s11;
	[sflag:s19] =	ssyncadd.s32 $0xFFFFE000  }
.Ltmp2:
0x4a: {  	[bflag:$0x0] =	sbarrier.arrive $0xFFFF;
	(pc) =	sbr.rel @p0 .LBB2_1-.Ltmp2, $4  }
0x4b: {  	[hbm:s10], [sflag:s15] =	dma.local [spmem:s16], $0x2800  }
0x4c: {  	_ =	swait.ge [sflag:s13], $0x2800  }
0x4d: {  	[sflag:s13] =	ssyncset.done $0x0  }
0x4e: {  	[sflag:s13] =	ssyncadd.s32 $0xFFFFD800  }
0x4f: {  	_ =	sfence.sel $0x180000  }
0x50: {  	[bflag:$0x0] =	sbarrier.arrive $0xFFFF  }
0x51: {  	p0 =	sne.s32 s1, $0x0;
	_ =	strace $0x9000004D  }
0x52: {  	s0 =	sadd.s32 @!p0 $0x100000, s0;
	[bflag:$0x2] =	sbarrier.arrive $0xFFFF  }
0x53: {  	[sflag:s0] =	ssyncadd.tile.s32 @!p0 $0x1;
	_ =	shalt  }
.Lfunc_end2:
_tile_overlayer_lowered:
.L_overlay_start_2:
0x54: {  	(tag) =	ssettag $0x2  }
0x55: {  	s0 =	rddreg [dreg:$0x0];
	s2 =	stileid.u32  }
0x56: {  	s1 =	rddreg [dreg:$0x1];
	p0 =	sne.s32 s2, $0x0  }
0x57: {  	s3 =	rddreg [dreg:$0x2];
	[bflag:$0x3] =	sbarrier.arrive $0xFFFF;
	s2 =	simm.s32 @!p0 $0x1C03  }
0x58: {  	[timem:s3], [sflag:s2] =	dma.local @!p0 [hbm:s0], s1  }
0x59: {  	s0 =	simm.s32 @!p0 $0x3  }
0x5a: {  	_ =	swait.ge @!p0 [sflag:s0], s1  }
0x5b: {  	s1 =	ssub.s32 @!p0 $0x0, s1;
	[sflag:s0] =	ssyncset.done @!p0 $0x0  }
0x5c: {  	[sflag:s0] =	ssyncadd.s32 @!p0 s1  }
0x5d: {  	[bflag:$0x3] =	sbarrier.arrive $0xFFFF  }
0x5e: {  	_ =	shalt  }

// kernel: kernel.20.cloned.1.call-start
scs
__scs_entry_jumppad:
0x0: {  	(pc) =	sbr.rel $0x88, $3  }
0x1: {  	(tag) =	ssettag $0x0;
	lr =	simm.s32 $0x1  }
0x2: {  	[smem:$0x3F96] =	sst lr;
	_ =	strace $0xD0000000  }
0x3: {  	_ = 	snop  }
0x4: {  	_ = 	snop  }
0x5: {  	_ = 	snop  }
0x6: {  	_ = 	snop  }
0x7: {  	_ = 	snop  }
__scs_overlays_trampoline_lowered:
0x8: {  	[smem:$0x3FA5] =	sst s0  }
0x9: {  	[smem:$0x3FA6] =	sst s1  }
0xa: {  	[smem:$0x3FA7] =	sst s2  }
0xb: {  	[smem:$0x3FA8] =	sst s3  }
0xc: {  	[smem:$0x3FA9] =	sst s4  }
0xd: {  	[smem:$0x3FAA] =	sst s5  }
0xe: {  	[smem:$0x3FAB] =	sst s6  }
0xf: {  	[smem:$0x3FAC] =	sst s7  }
0x10: {  	[smem:$0x3FAD] =	sst s8  }
0x11: {  	[smem:$0x3FAE] =	sst s9;
	s0 =	simm.s32 @!p0 $0x0  }
0x12: {  	s1 =	sld [smem:$0x3F94];
	s0 =	simm.s32 @p0 $0x1  }
0x13: {  	[smem:$0x3FAF] =	sst s0;
	s0 =	simm.s32 @!p1 $0x0  }
0x14: {  	s2 =	sld [smem:$0x3F93];
	s0 =	simm.s32 @p1 $0x1  }
0x15: {  	[smem:$0x3FB0] =	sst s0;
	s0 =	simm.s32 @!p2 $0x0  }
0x16: {  	s3 =	sld [smem:$0x3FDB];
	s0 =	simm.s32 @p2 $0x1  }
0x17: {  	s4 =	simm.s32 $0x1BF5;
	[smem:$0x3FB2] =	sst s0  }
0x18: {  	s0 =	sld [smem:$0x3F95];
	_ =	swait.ge [sflag:s4], $0x0  }
0x19: {  	s7 =	sld [smem:$0x3F96]  }
0x1a: {  	s8 =	sadd.s32 $0xFFFFE003, lr  }
0x1b: {  	s9 =	sadd.s32 $0xFFFFFEF7, lr;
	s5 =	simm.s32 $0xFFFFFFFF;
	p2 =	slt.u32 s8, $0xFFFFF086  }
0x1c: {  	p1 =	slt.u32 s9, $0xF7A;
	s5 =	simm.s32 @!p2 $0x0  }
0x1d: {  	s5 =	simm.s32 @p1 $0x1;
	p0 =	seq.s32 s7, s2  }
0x1e: {  	s7 =	smul.u32 @!p0 $0xF7A, s2;
	p2 =	seq.s32 @!p0 s5, $0x0  }
0x1f: {  	s9 =	smul.u32 $0xF7A, s1;
	s8 =	simm.s32 @!p0 $0x1BF5;
	p2 =	por !p2, p0  }
0x20: {  	[sflag:s8] =	ssyncset.s32 @!p0 $0xFFFFF086;
	s6 =	sadd.s32 @!p0 s3, s7;
	s7 =	simm.s32 @!p0 $0x108  }
0x21: {  	s3 =	sadd.s32 s3, s9;
	s6 =	sadd.s32 @!p0 $0x88, s6;
	s7 =	simm.s32 @p2 $0x1082  }
0x22: {  	[simem:s7], [sflag:s8] =	dma.local @!p0 [hbm:s6], $0xF7A  }
0x23: {  	s9 =	sor.u32 $0xD0000000, s2;
	s6 =	simm.s32 $0x108;
	_ =	swait.ge @!p0 [sflag:s8], $0x0  }
0x24: {  	s3 =	sadd.s32 $0x88, s3;
	s6 =	simm.s32 @!p1 $0x1082;
	[sflag:s4] =	ssyncset.s32 $0xFFFFF086  }
0x25: {  	[simem:s6], [sflag:s4] =	dma.local [hbm:s3], $0xF7A  }
0x26: {  	[smem:$0x3F96] =	sst s1;
	(tag) =	ssettag s2;
	_ =	strace s9  }
0x27: {  	s1 =	sld [smem:$0x3FA6]  }
0x28: {  	s2 =	sld [smem:$0x3FA7]  }
0x29: {  	s4 =	sld [smem:$0x3FA9]  }
0x2a: {  	p0 =	seq.s32 s5, $0x0;
	s5 =	sld [smem:$0x3FAA]  }
0x2b: {  	s6 =	sld [smem:$0x3FAB]  }
0x2c: {  	s7 =	sld [smem:$0x3FAC]  }
0x2d: {  	s3 =	simm.s32 $0x108;
	s8 =	sld [smem:$0x3FAD]  }
0x2e: {  	s3 =	simm.s32 @!p0 $0x1082;
	s9 =	sld [smem:$0x3FAE]  }
0x2f: {  	lr =	sadd.s32 s0, s3;
	s0 =	sld [smem:$0x3FA5]  }
0x30: {  	s3 =	sld [smem:$0x3FA8]  }
0x31: {  	[smem:$0x3FB1] =	sst s10  }
0x32: {  	s10 =	sld [smem:$0x3FAF];
	_ =	sdelay $0x3  }
0x33: {  	p0 =	seq.s32 s10, $0x1;
	s10 =	sld [smem:$0x3FB1];
	_ =	sdelay $0x3  }
0x34: {  	[smem:$0x3FB1] =	sst s10  }
0x35: {  	s10 =	sld [smem:$0x3FB0];
	_ =	sdelay $0x3  }
0x36: {  	p1 =	seq.s32 s10, $0x1;
	s10 =	sld [smem:$0x3FB1];
	_ =	sdelay $0x3  }
0x37: {  	[smem:$0x3FB1] =	sst s10  }
0x38: {  	s10 =	sld [smem:$0x3FB2]  }
0x39: {  	_ = 	snop;
	(pc) =	sbr.ind lr, $3  }
0x3a: {  	_ = 	snop  }
0x3b: {  	_ = 	snop  }
0x3c: {  	p2 =	seq.s32 s10, $0x1;
	s10 =	sld [smem:$0x3FB1]  }
0x3d: {  	_ =	shalt  }
0x3e: {  	_ =	shalt  }
0x3f: {  	_ =	shalt  }
0x40: {  	_ =	shalt  }
0x41: {  	_ =	shalt  }
0x42: {  	_ =	shalt  }
0x43: {  	_ =	shalt  }
0x44: {  	_ =	shalt  }
0x45: {  	_ =	shalt  }
0x46: {  	_ =	shalt  }
0x47: {  	_ =	shalt  }
0x48: {  	_ =	shalt  }
0x49: {  	_ =	shalt  }
0x4a: {  	_ =	shalt  }
0x4b: {  	_ =	shalt  }
0x4c: {  	_ =	shalt  }
0x4d: {  	_ =	shalt  }
0x4e: {  	_ =	shalt  }
0x4f: {  	_ =	shalt  }
0x50: {  	_ =	shalt  }
0x51: {  	_ =	shalt  }
0x52: {  	_ =	shalt  }
0x53: {  	_ =	shalt  }
0x54: {  	_ =	shalt  }
0x55: {  	_ =	shalt  }
0x56: {  	_ =	shalt  }
0x57: {  	_ =	shalt  }
0x58: {  	_ =	shalt  }
0x59: {  	_ =	shalt  }
0x5a: {  	_ =	shalt  }
0x5b: {  	_ =	shalt  }
0x5c: {  	_ =	shalt  }
0x5d: {  	_ =	shalt  }
0x5e: {  	_ =	shalt  }
0x5f: {  	_ =	shalt  }
0x60: {  	_ =	shalt  }
0x61: {  	_ =	shalt  }
0x62: {  	_ =	shalt  }
0x63: {  	_ =	shalt  }
0x64: {  	_ =	shalt  }
0x65: {  	_ =	shalt  }
0x66: {  	_ =	shalt  }
0x67: {  	_ =	shalt  }
0x68: {  	_ =	shalt  }
0x69: {  	_ =	shalt  }
0x6a: {  	_ =	shalt  }
0x6b: {  	_ =	shalt  }
0x6c: {  	_ =	shalt  }
0x6d: {  	_ =	shalt  }
0x6e: {  	_ =	shalt  }
0x6f: {  	_ =	shalt  }
0x70: {  	_ =	shalt  }
0x71: {  	_ =	shalt  }
0x72: {  	_ =	shalt  }
0x73: {  	_ =	shalt  }
0x74: {  	_ =	shalt  }
0x75: {  	_ =	shalt  }
0x76: {  	_ =	shalt  }
0x77: {  	_ =	shalt  }
0x78: {  	_ =	shalt  }
0x79: {  	_ =	shalt  }
0x7a: {  	_ =	shalt  }
0x7b: {  	_ =	shalt  }
0x7c: {  	_ =	shalt  }
0x7d: {  	_ =	shalt  }
0x7e: {  	_ =	shalt  }
0x7f: {  	_ =	shalt  }
0x80: {  	_ =	shalt  }
0x81: {  	_ =	shalt  }
0x82: {  	_ =	shalt  }
0x83: {  	_ =	shalt  }
0x84: {  	_ =	shalt  }
0x85: {  	_ =	shalt  }
0x86: {  	_ =	shalt  }
0x87: {  	_ =	shalt  }
.Lfunc_end0:
.L_simem_size_0:
called_computation.3_lowered:
.L_overlay_start_0:
0x88: {  	s2 =	sld [smem:$0x3FD9]  }
0x89: {  	s3 =	sld [smem:$0x3FFE];
	_ =	sdelay $0x1  }
0x8a: {  	s1 =	srdreg.scid  }
0x8b: {  	s0 =	sand.u32 $0x1, s1  }
0x8c: {  	s16 =	sshll.u32 s0, $0xA;
	s2 =	sadd.s32 s3, s2  }
0x8d: {  	s2 =	sadd.s32 s2, s16  }
0x8e: {  	[smem:$0x3FBD] =	sst s2  }
0x8f: {  	_ = 	snop  }
0x90: {  	(tm) =	ssettm $0x1  }
0x91: {  	s17 =	sld [smem:$0x3FFB];
	_ =	sdelay $0x3  }
0x92: {  	_ =	strace s17  }
0x93: {  	s2 =	sld [smem:$0x3FFC];
	_ =	sdelay $0x3  }
0x94: {  	_ =	strace s2  }
0x95: {  	s2 =	sld [smem:$0x3FFD];
	_ =	sdelay $0x3  }
0x96: {  	_ =	strace s2  }
0x97: {  	_ =	strace $0x8FFFFFFF  }
0x98: {  	s18 =	sld [smem:$0x3FDB];
	_ =	sdelay $0x1  }
0x99: {  	s19 =	simm.s32 $_scs_section_size  }
0x9a: {  	s4 =	simm.s32 $_size__tile_overlayer_lowered;
	s5 =	simm.s32 $_tile_overlayer_lowered  }
0x9b: {  	s22 =	simm.s32 $0x1BFF;
	s21 =	sshll.u32 s5, $0x1;
	s2 =	sadd.s32 s19, s18  }
0x9c: {  	s6 =	simm.s32 $0x0;
	s20 =	sshll.u32 s4, $0x1;
	s4 =	sadd.s32 s21, s2  }
0x9d: {  	[timem:s6], [sflag:s22] =	dma.local [hbm:s4], s20  }
0x9e: {  	_ =	swait.ge [sflag:s22], s20  }
0x9f: {  	s3 =	ssub.s32 $0x0, s20;
	[sflag:s22] =	ssyncset.done $0x0  }
0xa0: {  	[sflag:s22] =	ssyncadd.s32 s3;
	_ =	sdelay $0x1  }
0xa1: {  	s23 =	simm.s32 $0x1B8B  }
0xa2: {  	_ =	swait.ge [sflag:s23], $0x1  }
0xa3: {  	[sflag:s23] =	ssyncset.done $0x0  }
0xa4: {  	s25 =	simm.s32 $0x1B8E;
	s24 =	sld [smem:$0x3FFE];
	[sflag:s23] =	ssyncadd.s32 $0xFFFFFFFF  }
0xa5: {  	s26 =	simm.s32 $execute0_lowered;
	[smem:$0x3FD2] =	sst s25  }
0xa6: {  	s4 =	sshll.u32 s26, $0x1;
	_ =	strace $0x8000004F;
	[dreg:$0x1] =	wrdreg $0xFFFFFFFF  }
0xa7: {  	s28 =	simm.s32 $_size_execute0_lowered;
	s2 =	sadd.s32 s2, s4;
	[dreg:$0x0] =	wrdreg $0x0  }
0xa8: {  	s4 =	sshll.u32 s28, $0x1;
	[dreg:$0x2] =	wrdreg s2  }
0xa9: {  	[dreg:$0x3] =	wrdreg s4  }
0xaa: {  	[dreg:$0x4] =	wrdreg $0xC0  }
0xab: {  	_ =	task [dreg:s6], $0x5FFFF  }
0xac: {  	[dreg:$0x1] =	wrdreg $0xFFFFFFFF  }
0xad: {  	[dreg:$0x0] =	wrdreg $0x60  }
0xae: {  	[dreg:$0x2] =	wrdreg s24  }
0xaf: {  	[dreg:$0x3] =	wrdreg $0x0  }
0xb0: {  	[dreg:$0x4] =	wrdreg $0x9  }
0xb1: {  	_ =	task.clear_ibuf [dreg:s6], $0x5FFFF;
	_ =	strace $0x9000004F  }
0xb2: {  	s29 =	simm.s32 $0x9;
	_ =	strace $0x80000051  }
0xb3: {  	_ =	swait.ge [sflag:s29], $0x1  }
0xb4: {  	[sflag:s29] =	ssyncadd.s32 $0xFFFFFFFF  }
0xb5: {  	_ =	strace $0x90000051  }
0xb6: {  	_ =	sfence  }
0xb7: {  	s30 =	sld [smem:$0x0];
	_ =	sdelay $0x2  }
0xb8: {  	s31 =	sshll.u32 s1, $0xD;
	s1 =	sshrl.u32 s1, $0x2  }
0xb9: {  	s3 =	sand.u32 $0x4000, s31;
	s1 =	sadd.s32 s1, s30  }
0xba: {  	s0 =	sor.u32 s3, s0;
	s1 =	sshll.u32 s1, $0x11  }
0xbb: {  	s0 =	sor.u32 s1, s0  }
0xbc: {  	s0 =	sadd.s32 $0x8F2B, s0  }
0xbd: {  	[sflag:s0] =	ssyncadd.remote.s32 $0x1  }
0xbe: {  	_ =	sfence.sel $0xFFFF  }
0xbf: {  	[dreg:$0x0] =	wrdreg $0xFFFFFFFF;
	(pc) =	sbr.abs _section_cstart, $3  }
0xc0: {  	[dreg:$0x1] =	wrdreg $0xFFFFFFFF  }
0xc1: {  	_ =	task.clear_ibuf [dreg:s6], $0x2FFFF;
	_ =	strace $0x9FFFFFFF  }
0xc2: {  	(tm) =	ssettm $0x7FFFFFFF  }
0xc3: {  	_ =	shalt  }
tec
execute0_lowered:
.L_overlay_start_1:
0x0: {  	(tag) =	ssettag $0x1  }
0x1: {  	s6 =	rddreg [dreg:$0x0]  }
0x2: {  	s2 =	rddreg [dreg:$0x1]  }
0x3: {  	s1 =	srdreg.scid;
	s0 =	rddreg [dreg:$0x2]  }
0x4: {  	s3 =	simm.s32 $0x0;
	s13 =	simm.s32 $0x3;
	s14 =	simm.s32 $0x17400  }
0x5: {  	s17 =	simm.s32 $0x40;
	s18 =	simm.s32 $0x1A800;
	s19 =	simm.s32 $0x1  }
0x6: {  	s20 =	simm.s32 $0x1C800;
	s21 =	simm.s32 $0x2;
	s7 =	sand.u32 $0x1, s1  }
0x7: {  	s22 =	simm.s32 $0x0;
	s1 =	stileid.u32;
	s5 =	smul.u32 $0x140000, s7  }
0x8: {  	[smem:$0x7FF] =	sst s3;
	s4 =	sshll.u32 s7, $0x4;
	s8 =	smul.u32 $0x14000, s1  }
0x9: {  	_ =	strace $0x80000050;
	s31 =	ssub.s32 $0x2, s7;
	s11 =	smul.u32 $0x50000, s1  }
0xa: {  	p0 =	seq.s32 s7, $0x0;
	s15 =	sshll.u32 s1, $0x6;
	s4 =	sor.u32 s1, s4  }
0xb: {  	s12 =	sshrl.u32 s31, $0x1;
	s15 =	sor.u32 $0x1C03, s15;
	s9 =	smul.u32 $0x680, s4  }
0xc: {  	s4 =	sadd.s32 $0xF400, s6;
	s8 =	sadd.s32 s8, s5;
	s5 =	sadd.s32 $0xCC00, s6  }
0xd: {  	s12 =	ssub.s32 s31, s12;
	s11 =	sshrl.u32 s11, $0x2;
	s8 =	sshrl.u32 s8, $0x3  }
0xe: {  	s16 =	sadd.s32 s11, s2;
	s11 =	smax.u32 s12, $0x1;
	s12 =	simm.s32 $0x14000  }
0xf: {  	s9 =	sadd.s32 s9, s6;
	s10 =	sadd.s32 s8, s6;
	s6 =	simm.s32 $0x61  }
0x10: {  	s16 =	sshrl.u32 s16, $0x3;
	s6 =	simm.s32 @!p0 $0x3C;
	s7 =	sadd.s32 $0x5FC00, s9  }
0x11: {  	s8 =	sadd.s32 $0x6CC00, s9;
	s10 =	sadd.s32 $0x79C00, s10;
	s9 =	sadd.s32 $0xFFFFFFFF, s6  }
.LBB2_1:
0x12: {  	[tilespmem:s12], [sflag:$0x3] =	stream.linear.gather [hbm4b:s7+s3], $0x3080, $0x38;
	[tilespmem:$0x1E800] =	vst v63  }
0x13: {  	_ =	swait.ge [sflag:s13], $0x3080  }
0x14: {  	[sflag:s13] =	ssyncset.done $0x0  }
0x15: {  	[sflag:s13] =	ssyncadd.s32 $0xFFFFCF80  }
0x16: {  	[tilespmem:s14], [sflag:$0x3] =	stream.linear.gather [hbm4b:s8+s3], $0x3080, $0x38;
	[tilespmem:$0x1E800] =	vst v63  }
0x17: {  	_ =	swait.ge [sflag:s13], $0x3080  }
0x18: {  	[sflag:s13] =	ssyncset.done $0x0  }
0x19: {  	[sflag:s13] =	ssyncadd.s32 $0xFFFFCF80  }
0x1a: {  	[spmem:s16], [sflag:s15] =	dma.local [hbm:s5], $0x2800  }
0x1b: {  	_ =	swait.ge [sflag:s13], $0x2800  }
0x1c: {  	[sflag:s13] =	ssyncset.done $0x0  }
0x1d: {  	[sflag:s13] =	ssyncadd.s32 $0xFFFFD800  }
0x1e: {  	[bflag:$0x0] =	sbarrier.arrive $0xFFFF  }
0x1f: {  	[tilespmem:s18], [sflag:$0x1] =	stream.indirect.gather [hbm4b:s4+s17], $0x80, s12, s17, $0xb8;
	[tilespmem:$0x1E800] =	vst v63  }
0x20: {  	_ =	swait.ge [sflag:s19], $0x2000  }
0x21: {  	[sflag:s19] =	ssyncset.done $0x0  }
0x22: {  	s23 =	simm.s32 $0x14040;
	[sflag:s19] =	ssyncadd.s32 $0xFFFFE000  }
0x23: {  	[tilespmem:s20], [sflag:$0x2] =	stream.indirect.gather [hbm4b:s4+s17], $0x80, s23, s17, $0xb8;
	[tilespmem:$0x1E800] =	vst v63  }
0x24: {  	s24 =	simm.s32 $0x17400  }
0x25: {  	[spmem:s2] =	stream.indirect.scatter.add.f32 [tilespmem:s18], [sflag:$0x3], $0x80, s24, s17, $0xb8;
	[tilespmem:$0x1E800] =	vst v63  }
0x26: {  	p0 =	sgt.s32 s9, $0x1;
	_ =	swait.ge [sflag:s13], $0x2000  }
0x27: {  	s25 =	smov.u32 s9;
	s24 =	simm.s32 $0x1;
	[sflag:s13] =	ssyncset.done $0x0  }
0x28: {  	s25 =	smov.u32 @p0 s24;
	[sflag:s13] =	ssyncadd.s32 $0xFFFFE000  }
0x29: {  	s25 =	sshll.u32 s25, $0x7;
	_ =	swait.ge [sflag:s21], $0x2000  }
0x2a: {  	s25 =	sand.u32 $0x3FFFFF80, s25;
	[sflag:s21] =	ssyncset.done $0x0  }
0x2b: {  	p0 =	sne.s32 s6, $0x1;
	s25 =	sadd.s32 $0x14000, s25;
	[sflag:s21] =	ssyncadd.s32 $0xFFFFE000  }
0x2c: {  	[tilespmem:s18], [sflag:$0x1] =	stream.indirect.gather [hbm4b:s4+s17], $0x80, s25, s17, $0xb8;
	[tilespmem:$0x1E800] =	vst v63  }
.Ltmp0:
0x2d: {  	_ = 	snop;
	(pc) =	sbr.rel @!p0 .LBB2_3-.Ltmp0, $4  }
0x2e: {  	s31 =	simm.s32 $0x17440  }
0x2f: {  	[spmem:s2] =	stream.indirect.scatter.add.f32 [tilespmem:s20], [sflag:$0x3], $0x80, s31, s17, $0xb8;
	[tilespmem:$0x1E800] =	vst v63  }
0x30: {  	_ =	swait.ge [sflag:s13], $0x2000  }
0x31: {  	s25 =	simm.s32 $0x174C0;
	[sflag:s13] =	ssyncset.done $0x0  }
.LBB2_2:
0x32: {  	s24 =	sadd.s32 $0x1, s24;
	[sflag:s13] =	ssyncadd.s32 $0xFFFFE000;
	s23 =	sadd.s32 $0x80, s23  }
0x33: {  	s26 =	smov.u32 s9;
	p1 =	slt.s32 s24, s9;
	p0 =	sne.s32 s6, s24  }
0x34: {  	s26 =	smov.u32 @p1 s24;
	_ =	swait.ge [sflag:s19], $0x2000  }
0x35: {  	[sflag:s19] =	ssyncset.done $0x0;
	s26 =	sshll.u32 s26, $0x7  }
0x36: {  	[sflag:s19] =	ssyncadd.s32 $0xFFFFE000;
	s26 =	sand.u32 $0x3FFFFF80, s26  }
0x37: {  	[tilespmem:s20], [sflag:$0x2] =	stream.indirect.gather [hbm4b:s4+s17], $0x80, s23, s17, $0xb8;
	[tilespmem:$0x1E800] =	vst v63  }
0x38: {  	s28 =	sadd.s32 $0xFFFFFFC0, s25  }
0x39: {  	[spmem:s2] =	stream.indirect.scatter.add.f32 [tilespmem:s18], [sflag:$0x3], $0x80, s28, s17, $0xb8;
	[tilespmem:$0x1E800] =	vst v63  }
0x3a: {  	_ =	swait.ge [sflag:s13], $0x2000  }
0x3b: {  	[sflag:s13] =	ssyncset.done $0x0  }
0x3c: {  	[sflag:s13] =	ssyncadd.s32 $0xFFFFE000  }
0x3d: {  	_ =	swait.ge [sflag:s21], $0x2000  }
0x3e: {  	[sflag:s21] =	ssyncset.done $0x0  }
0x3f: {  	s26 =	sadd.s32 $0x14000, s26;
	[sflag:s21] =	ssyncadd.s32 $0xFFFFE000  }
0x40: {  	[tilespmem:s18], [sflag:$0x1] =	stream.indirect.gather [hbm4b:s4+s17], $0x80, s26, s17, $0xb8;
	[tilespmem:$0x1E800] =	vst v63  }
.Ltmp1:
0x41: {  	_ = 	snop;
	(pc) =	sbr.rel @p0 .LBB2_2-.Ltmp1, $4  }
0x42: {  	_ = 	snop  }
0x43: {  	[spmem:s2] =	stream.indirect.scatter.add.f32 [tilespmem:s20], [sflag:$0x3], $0x80, s25, s17, $0xb8;
	[tilespmem:$0x1E800] =	vst v63  }
0x44: {  	_ =	swait.ge [sflag:s13], $0x2000  }
0x45: {  	s25 =	sadd.s32 $0x80, s25;
	[sflag:s13] =	ssyncset.done $0x0  }
.LBB2_3:
0x46: {  	[sflag:s13] =	ssyncadd.s32 $0xFFFFE000  }
0x47: {  	_ =	swait.ge [sflag:s19], $0x2000  }
0x48: {  	s22 =	sadd.s32 $0x1, s22;
	[sflag:s19] =	ssyncset.done $0x0  }
0x49: {  	p0 =	sne.s32 s22, s11;
	[sflag:s19] =	ssyncadd.s32 $0xFFFFE000  }
.Ltmp2:
0x4a: {  	[bflag:$0x0] =	sbarrier.arrive $0xFFFF;
	(pc) =	sbr.rel @p0 .LBB2_1-.Ltmp2, $4  }
0x4b: {  	[hbm:s10], [sflag:s15] =	dma.local [spmem:s16], $0x2800  }
0x4c: {  	_ =	swait.ge [sflag:s13], $0x2800  }
0x4d: {  	[sflag:s13] =	ssyncset.done $0x0  }
0x4e: {  	[sflag:s13] =	ssyncadd.s32 $0xFFFFD800  }
0x4f: {  	_ =	sfence.sel $0x180000  }
0x50: {  	[bflag:$0x0] =	sbarrier.arrive $0xFFFF  }
0x51: {  	p0 =	sne.s32 s1, $0x0;
	_ =	strace $0x90000050  }
0x52: {  	s0 =	sadd.s32 @!p0 $0x100000, s0;
	[bflag:$0x2] =	sbarrier.arrive $0xFFFF  }
0x53: {  	[sflag:s0] =	ssyncadd.tile.s32 @!p0 $0x1;
	_ =	shalt  }
.Lfunc_end2:
_tile_overlayer_lowered:
.L_overlay_start_2:
0x54: {  	(tag) =	ssettag $0x2  }
0x55: {  	s0 =	rddreg [dreg:$0x0];
	s2 =	stileid.u32  }
0x56: {  	s1 =	rddreg [dreg:$0x1];
	p0 =	sne.s32 s2, $0x0  }
0x57: {  	s3 =	rddreg [dreg:$0x2];
	[bflag:$0x3] =	sbarrier.arrive $0xFFFF;
	s2 =	simm.s32 @!p0 $0x1C03  }
0x58: {  	[timem:s3], [sflag:s2] =	dma.local @!p0 [hbm:s0], s1  }
0x59: {  	s0 =	simm.s32 @!p0 $0x3  }
0x5a: {  	_ =	swait.ge @!p0 [sflag:s0], s1  }
0x5b: {  	s1 =	ssub.s32 @!p0 $0x0, s1;
	[sflag:s0] =	ssyncset.done @!p0 $0x0  }
0x5c: {  	[sflag:s0] =	ssyncadd.s32 @!p0 s1  }
0x5d: {  	[bflag:$0x3] =	sbarrier.arrive $0xFFFF  }
0x5e: {  	_ =	shalt  }

</sc_bundles>
